<compile_context>
chip_gen: v7x
topology: tpu7x:2x2x1
jax: 0.10.2.dev20260603
libtpu: 0.0.44.dev20260713+nightly
codegen_flags: <defaults>
</compile_context>

<pallas_src>
import jax
import jax.numpy as jnp
from jax import lax
from jax.experimental import pallas as pl
from jax.experimental.pallas import tpu as pltpu
from jax.experimental.pallas import tpu_sc as plsc

B = 128
C = 32768
N_PAD = 1024

NC = 2
NW = 32
ROWS_PER_W = B // NW
NVEC = C // 16



NB = 1024
SHIFT = 21
REM = SHIFT


def _sc_scale_body(feature_hbm, ks_hbm, out_hbm, row_v, cnt, sufc, ksv, scv):
    wid = lax.axis_index("s") * NC + lax.axis_index("c")
    lanes = lax.iota(jnp.int32, 16)
    ones_i = jnp.ones((16,), jnp.int32)
    zero_i = jnp.zeros((16,), jnp.int32)
    zero_f = jnp.zeros((16,), jnp.float32)
    pltpu.sync_copy(ks_hbm.at[wid], ksv)
    ks_all = ksv[...]

    @plsc.parallel_loop(0, NB, 1, unroll=8)
    def _zero(k):
        cnt[pl.ds(k * 16, 16)] = zero_i

    def row_body(i, _):
        r = wid * ROWS_PER_W + i
        pltpu.sync_copy(feature_hbm.at[r], row_v)
        ks = jnp.sum(jnp.where(lanes == i, ks_all, jnp.int32(0)))

        @plsc.parallel_loop(0, NVEC, 1, unroll=8, carry=zero_f)
        def accy(j, acc):
            y = jnp.maximum(row_v[pl.ds(j * 16, 16)], 0.0)
            bits = plsc.bitcast(y, jnp.int32)
            pos = lax.shift_right_logical(bits, SHIFT) * 16 + lanes
            plsc.addupdate_scatter(cnt, [pos], ones_i)
            return acc + y
        batch_sum = jnp.sum(accy)

        sufc[pl.ds(NB * 16, 16)] = zero_i

        @plsc.parallel_loop(0, NB, 1, unroll=8, carry=zero_i)
        def _suf(k, cacc):
            e = NB - 1 - k
            cacc = cacc + cnt[pl.ds(e * 16, 16)]
            cnt[pl.ds(e * 16, 16)] = zero_i
            sufc[pl.ds(e * 16, 16)] = cacc
            return cacc

        def bs(_, lohi):
            lo, hi = lohi
            mid = lax.div(lo + hi, jnp.int32(2))
            good = jnp.sum(sufc[pl.ds(mid * 16, 16)]) >= ks
            return (jnp.where(good, mid, lo), jnp.where(good, hi, mid))
        E, _hi = lax.fori_loop(0, 10, bs, (jnp.int32(0), jnp.int32(NB)))
        n_above = jnp.sum(sufc[pl.ds((E + 1) * 16, 16)])
        r_rank = ks - n_above
        thr_hi = lax.shift_left(E + 1, SHIFT)

        @plsc.parallel_loop(0, NVEC, 1, unroll=8, carry=(zero_i, zero_f))
        def _p2(j, carry):
            off, sa = carry
            y = jnp.maximum(row_v[pl.ds(j * 16, 16)], 0.0)
            bits = plsc.bitcast(y, jnp.int32)
            msk = lax.shift_right_logical(bits, SHIFT) == E
            pos = off + plsc.cumsum(msk.astype(jnp.int32)) - 1
            plsc.store_scatter(row_v, [pos], y, mask=msk)
            off = off + plsc.all_reduce_population_count(msk)
            sa = sa + jnp.where(bits >= thr_hi, y, 0.0)
            return (off, sa)
        offv, sav = _p2
        m = jnp.max(offv)
        s_above = jnp.sum(sav)
        nv2 = lax.div(m + 31, jnp.int32(32))
        plsc.store_scatter(row_v, [m + lanes], zero_f,
                           mask=(m + lanes) < nv2 * 32)
        plsc.store_scatter(row_v, [m + 16 + lanes], zero_f,
                           mask=(m + 16 + lanes) < nv2 * 32)

        def bit_body(k, t):
            cand = t | lax.shift_left(jnp.int32(1), REM - 1 - k)

            @plsc.parallel_loop(0, nv2, 1, unroll=4, carry=zero_i)
            def _cnt(q, a):
                v0 = plsc.bitcast(row_v[pl.ds(q * 32, 16)], jnp.int32)
                v1 = plsc.bitcast(row_v[pl.ds(q * 32 + 16, 16)], jnp.int32)
                return (a + (v0 >= cand).astype(jnp.int32)
                        + (v1 >= cand).astype(jnp.int32))
            c = jnp.sum(_cnt)
            return jnp.where(c >= r_rank, cand, t)
        t_bits = lax.fori_loop(0, REM, bit_body, lax.shift_left(E, SHIFT))

        @plsc.parallel_loop(0, nv2, 1, unroll=4, carry=(zero_i, zero_f))
        def _gt(q, carry):
            ac, asum = carry
            v0 = row_v[pl.ds(q * 32, 16)]
            v1 = row_v[pl.ds(q * 32 + 16, 16)]
            g0 = plsc.bitcast(v0, jnp.int32) > t_bits
            g1 = plsc.bitcast(v1, jnp.int32) > t_bits
            return (ac + g0.astype(jnp.int32) + g1.astype(jnp.int32),
                    asum + jnp.where(g0, v0, 0.0) + jnp.where(g1, v1, 0.0))
        gcnt, gsum = _gt
        n_gt = n_above + jnp.sum(gcnt)
        s_gt = s_above + jnp.sum(gsum)
        t_vec = plsc.bitcast(jnp.full((16,), t_bits, jnp.int32), jnp.float32)
        topk = s_gt + (ks - n_gt).astype(jnp.float32) * t_vec
        scale_vec = batch_sum / topk
        plsc.store_scatter(scv, [jnp.full((16,), i, jnp.int32)], scale_vec,
                           mask=lanes == 0)
        return 0

    lax.fori_loop(0, ROWS_PER_W, row_body, 0)
    pltpu.sync_copy(scv, out_hbm.at[wid])


def _sc_scales(feature, ks2):
    mesh = plsc.VectorSubcoreMesh(core_axis_name="c", subcore_axis_name="s")
    f = pl.kernel(
        _sc_scale_body,
        jax.ShapeDtypeStruct((NW, 16), jnp.float32),
        mesh=mesh,
        compiler_params=pltpu.CompilerParams(needs_layout_passes=False),
        scratch_types=[
            pltpu.VMEM((C,), jnp.float32),
            pltpu.VMEM((NB * 16,), jnp.int32),
            pltpu.VMEM(((NB + 1) * 16,), jnp.int32),
            pltpu.VMEM((16,), jnp.int32),
            pltpu.VMEM((16,), jnp.float32),
        ],
    )
    return f(feature, ks2)



BN = 256
BC = 4096


def _mm_body(x_ref, w_ref, o_ref):
    j = pl.program_id(1)

    @pl.when(j == 0)
    def _():
        o_ref[...] = jnp.zeros_like(o_ref)

    o_ref[...] += lax.dot_general(
        x_ref[...], w_ref[...],
        dimension_numbers=(((1,), (1,)), ((), ())),
        preferred_element_type=jnp.float32,
    )


def _mm(feature, fc_w_pad):
    return pl.pallas_call(
        _mm_body,
        grid=(N_PAD // BN, C // BC),
        in_specs=[
            pl.BlockSpec((B, BC), lambda i, j: (0, j)),
            pl.BlockSpec((BN, BC), lambda i, j: (i, j)),
        ],
        out_specs=pl.BlockSpec((B, BN), lambda i, j: (0, i)),
        out_shape=jax.ShapeDtypeStruct((B, N_PAD), jnp.float32),
    )(feature, fc_w_pad)


def _comb_body(r_ref, s_ref, b_ref, o_ref):
    o_ref[...] = r_ref[...] * jnp.exp(s_ref[...]) + b_ref[...]


def _combine(raw, scale, fc_b_pad):
    return pl.pallas_call(
        _comb_body,
        out_shape=jax.ShapeDtypeStruct((B, N_PAD), jnp.float32),
    )(raw, scale, fc_b_pad)


def kernel(feature, percentiles, fc_w, fc_b):
    n_classes = fc_w.shape[0]
    ks = C - jnp.round(C * percentiles / 100.0).astype(jnp.int32)
    ks2 = jnp.pad(ks.reshape(NW, ROWS_PER_W), ((0, 0), (0, 16 - ROWS_PER_W)))
    scale = _sc_scales(feature, ks2)[:, :ROWS_PER_W].reshape(B, 1)
    w_pad = jnp.pad(fc_w, ((0, N_PAD - n_classes), (0, 0)))
    b_pad = jnp.pad(fc_b, (0, N_PAD - n_classes)).reshape(1, N_PAD)
    raw = _mm(feature, w_pad)
    out = _combine(raw, scale, b_pad)
    return out[:, :n_classes]

# --- scband reference (transcript-rebuilt; emitter-appended) ---
"""Pipeline reference for scband-ada-scale-anet-74036646248973 (READ-ONLY COPY).

The authoritative reference and input builder live on the scoring server;
editing this copy changes nothing except your own understanding.
"""

import jax, jax.numpy as jnp
import numpy as np

B = 128
C = 32768
NUM_CLASSES = 1000


def setup_inputs(seed: int = 0) -> dict:
    key = jax.random.key(seed)
    k1, k2, k3, k4 = jax.random.split(key, 4)
    feature = jax.random.normal(k1, (B, C), dtype=jnp.float32)
    # percentiles must satisfy 0 < p < 100; OOD-detection style high percentiles
    percentiles = jax.random.uniform(k2, (B,), minval=80.0, maxval=99.0, dtype=jnp.float32)
    fc_w = jax.random.normal(k3, (NUM_CLASSES, C), dtype=jnp.float32) * 0.02
    fc_b = jnp.zeros((NUM_CLASSES,), dtype=jnp.float32)
    return {"feature": feature, "percentiles": percentiles, "fc_w": fc_w, "fc_b": fc_b}


def ada_scale(x, percentiles):
    # x: [b, c], percentiles: [b]
    b, c = x.shape
    n = c
    ks = n - jnp.round(n * percentiles / 100.0).astype(jnp.int32)
    # torch does topk(x, max_k) then masks with arange(max_k) < ks.
    # Full descending sort + per-row mask arange(n) < ks yields the identical
    # masked sum (entries beyond max_k are masked out for every row).
    values = -jnp.sort(-x, axis=1)
    mask = (jnp.arange(n)[None, :] < ks[:, None]).astype(x.dtype)
    batch_sums = jnp.sum(x, axis=1, keepdims=True)
    masked_values = values * mask
    topk_sums = jnp.sum(masked_values, axis=1, keepdims=True)
    scales = batch_sums / topk_sums
    return scales


def reference(feature, percentiles, fc_w, fc_b):
    # AdaScaleANet.forward_threshold with logit_scaling == False
    scale = ada_scale(jax.nn.relu(feature), percentiles)  # [B, 1]
    feat2 = feature * jnp.exp(scale)
    logits_cls = feat2 @ fc_w.T + fc_b
    return logits_cls

if __name__ == "__main__":
    import jax
    _d = setup_inputs()
    print(jax.jit(kernel)(*tuple(_d.values())))

</pallas_src>

<mosaic_0001>
#map = affine_map<(d0, d1) -> (0, 0)>
module attributes {stable_mosaic.version = 14 : i64} {
  func.func @_sc_scale_body(%arg0: i32, %arg1: i32, %arg2: memref<128x32768xf32, #tpu.memory_space<hbm>>, %arg3: memref<32x16xi32, #tpu.memory_space<hbm>>, %arg4: memref<32x16xf32, #tpu.memory_space<hbm>>, %arg5: memref<32768xf32, #tpu.memory_space<vmem>>, %arg6: memref<16384xi32, #tpu.memory_space<vmem>>, %arg7: memref<16400xi32, #tpu.memory_space<vmem>>, %arg8: memref<16xi32, #tpu.memory_space<vmem>>, %arg9: memref<16xf32, #tpu.memory_space<vmem>>) attributes {dimension_semantics = [#tpu.dimension_semantics<core_parallel>, #tpu.dimension_semantics<subcore_parallel>], iteration_bounds = array<i64: 2, 16>, scalar_prefetch = 0 : i64, scratch_operands = 5 : i64, tpu.core_type = #tpu.core_type<sc_vector_subcore>, window_params = [{transform_indices = #map}, {transform_indices = #map}, {transform_indices = #map}]} {
    %mul3A = arith.constant 2 : i32
    %mul3A_0 = arith.muli %arg1, %mul3A : i32
    %add3A = arith.addi %mul3A_0, %arg0 : i32
    %iota3A = tpu.iota {dimensions = array<i32: 0>} : vector<16xi32>
    %broadcast_in_dim3A = arith.constant 1 : i32
    %broadcast_in_dim3A_1 = vector.broadcast %broadcast_in_dim3A : i32 to vector<16xi32>
    %broadcast_in_dim3A_2 = arith.constant 0 : i32
    %broadcast_in_dim3A_3 = vector.broadcast %broadcast_in_dim3A_2 : i32 to vector<16xi32>
    %broadcast_in_dim3A_4 = arith.constant 0.000000e+00 : f32
    %broadcast_in_dim3A_5 = vector.broadcast %broadcast_in_dim3A_4 : f32 to vector<16xf32>
    "tpu.region"() ({
      %run_scoped3A = tpu.sem_alloc : memref<!tpu.dma_semaphore, #tpu.memory_space<semaphore_mem>>
      %dma_start3A = arith.constant 0 : i32
      %dma_start3A_15 = tpu.memref_slice %arg3[%add3A, %dma_start3A] : memref<32x16xi32, #tpu.memory_space<hbm>> -> memref<1x16xi32, #tpu.memory_space<hbm>>
      %dma_start3A_16 = tpu.memref_squeeze %dma_start3A_15 : memref<1x16xi32, #tpu.memory_space<hbm>> -> memref<16xi32, #tpu.memory_space<hbm>>
      %dma_start3A_17 = arith.constant 0 : i32
      %dma_start3A_18 = tpu.memref_slice %arg3[%add3A, %dma_start3A_17] : memref<32x16xi32, #tpu.memory_space<hbm>> -> memref<1x16xi32, #tpu.memory_space<hbm>>
      %dma_start3A_19 = tpu.memref_squeeze %dma_start3A_18 : memref<1x16xi32, #tpu.memory_space<hbm>> -> memref<16xi32, #tpu.memory_space<hbm>>
      tpu.enqueue_dma source(%dma_start3A_19 : memref<16xi32, #tpu.memory_space<hbm>>) target(%arg8 : memref<16xi32, #tpu.memory_space<vmem>>) target_semaphore(%run_scoped3A : memref<!tpu.dma_semaphore, #tpu.memory_space<semaphore_mem>>)
      %dma_wait3A = arith.constant 0 : i32
      %dma_wait3A_20 = tpu.memref_slice %arg3[%add3A, %dma_wait3A] : memref<32x16xi32, #tpu.memory_space<hbm>> -> memref<1x16xi32, #tpu.memory_space<hbm>>
      %dma_wait3A_21 = tpu.memref_squeeze %dma_wait3A_20 : memref<1x16xi32, #tpu.memory_space<hbm>> -> memref<16xi32, #tpu.memory_space<hbm>>
      %dma_wait3A_22 = arith.constant 0 : i32
      %dma_wait3A_23 = tpu.memref_slice %arg3[%add3A, %dma_wait3A_22] : memref<32x16xi32, #tpu.memory_space<hbm>> -> memref<1x16xi32, #tpu.memory_space<hbm>>
      %dma_wait3A_24 = tpu.memref_squeeze %dma_wait3A_23 : memref<1x16xi32, #tpu.memory_space<hbm>> -> memref<16xi32, #tpu.memory_space<hbm>>
      tpu.wait_dma2 semaphore(%run_scoped3A : memref<!tpu.dma_semaphore, #tpu.memory_space<semaphore_mem>>) src(%dma_wait3A_24 : memref<16xi32, #tpu.memory_space<hbm>>) dst(%arg8 : memref<16xi32, #tpu.memory_space<vmem>>)
      tpu.yield
    }) : () -> ()
    %get3A = arith.constant 0 : index
    %get3A_6 = tpu.vector_load %arg8[%get3A] {strides = array<i32>} : memref<16xi32, #tpu.memory_space<vmem>>, vector<16xi32>,
    %parallel_loop3A = arith.constant 0 : i32
    %parallel_loop3A_7 = arith.constant 1024 : i32
    %parallel_loop3A_8 = arith.constant 1 : i32
    scf.for %parallel_loop3A_15 = %parallel_loop3A to %parallel_loop3A_7 step %parallel_loop3A_8  : i32 {
      %parallel_loop3A_16 = arith.constant 16 : i32
      %parallel_loop3A_17 = arith.muli %parallel_loop3A_15, %parallel_loop3A_16 : i32
      %parallel_loop3A_18 = arith.index_cast %parallel_loop3A_17 : i32 to index
      %parallel_loop3A_19 = tpu.vector_load %arg6[%parallel_loop3A_18] {strides = array<i32>} : memref<16384xi32, #tpu.memory_space<vmem>>, vector<16xi32>,
      tpu.vector_store %arg6[%parallel_loop3A_18], %broadcast_in_dim3A_3 {strides = array<i32>} : memref<16384xi32, #tpu.memory_space<vmem>>, vector<16xi32>,
    } {sc.loop_unroll_factor = 8 : i64, sc.parallel_access}
    %scan3A = arith.constant 0 : i32
    %scan3A_9 = arith.constant 0 : i32
    %scan3A_10 = arith.constant 4 : i32
    %scan3A_11 = arith.addi %scan3A_9, %scan3A_10 : i32
    %scan3A_12 = arith.constant 1 : i32
    %scan3A_13 = scf.for %scan3A_15 = %scan3A_9 to %scan3A_11 step %scan3A_12 iter_args(%scan3A_16 = %scan3A) -> (i32)  : i32 {
      %mul3A_17 = arith.constant 4 : i32
      %mul3A_18 = arith.muli %add3A, %mul3A_17 : i32
      %add3A_19 = arith.addi %mul3A_18, %scan3A_15 : i32
      "tpu.region"() ({
        %run_scoped3A = tpu.sem_alloc : memref<!tpu.dma_semaphore, #tpu.memory_space<semaphore_mem>>
        %dma_start3A = arith.constant 0 : i32
        %dma_start3A_130 = tpu.memref_slice %arg2[%add3A_19, %dma_start3A] : memref<128x32768xf32, #tpu.memory_space<hbm>> -> memref<1x32768xf32, #tpu.memory_space<hbm>>
        %dma_start3A_131 = tpu.memref_squeeze %dma_start3A_130 : memref<1x32768xf32, #tpu.memory_space<hbm>> -> memref<32768xf32, #tpu.memory_space<hbm>>
        %dma_start3A_132 = arith.constant 0 : i32
        %dma_start3A_133 = tpu.memref_slice %arg2[%add3A_19, %dma_start3A_132] : memref<128x32768xf32, #tpu.memory_space<hbm>> -> memref<1x32768xf32, #tpu.memory_space<hbm>>
        %dma_start3A_134 = tpu.memref_squeeze %dma_start3A_133 : memref<1x32768xf32, #tpu.memory_space<hbm>> -> memref<32768xf32, #tpu.memory_space<hbm>>
        tpu.enqueue_dma source(%dma_start3A_134 : memref<32768xf32, #tpu.memory_space<hbm>>) target(%arg5 : memref<32768xf32, #tpu.memory_space<vmem>>) target_semaphore(%run_scoped3A : memref<!tpu.dma_semaphore, #tpu.memory_space<semaphore_mem>>)
        %dma_wait3A = arith.constant 0 : i32
        %dma_wait3A_135 = tpu.memref_slice %arg2[%add3A_19, %dma_wait3A] : memref<128x32768xf32, #tpu.memory_space<hbm>> -> memref<1x32768xf32, #tpu.memory_space<hbm>>
        %dma_wait3A_136 = tpu.memref_squeeze %dma_wait3A_135 : memref<1x32768xf32, #tpu.memory_space<hbm>> -> memref<32768xf32, #tpu.memory_space<hbm>>
        %dma_wait3A_137 = arith.constant 0 : i32
        %dma_wait3A_138 = tpu.memref_slice %arg2[%add3A_19, %dma_wait3A_137] : memref<128x32768xf32, #tpu.memory_space<hbm>> -> memref<1x32768xf32, #tpu.memory_space<hbm>>
        %dma_wait3A_139 = tpu.memref_squeeze %dma_wait3A_138 : memref<1x32768xf32, #tpu.memory_space<hbm>> -> memref<32768xf32, #tpu.memory_space<hbm>>
        tpu.wait_dma2 semaphore(%run_scoped3A : memref<!tpu.dma_semaphore, #tpu.memory_space<semaphore_mem>>) src(%dma_wait3A_139 : memref<32768xf32, #tpu.memory_space<hbm>>) dst(%arg5 : memref<32768xf32, #tpu.memory_space<vmem>>)
        tpu.yield
      }) : () -> ()
      %eq3A = vector.broadcast %scan3A_15 : i32 to vector<16xi32>
      %eq3A_20 = arith.cmpi eq, %iota3A, %eq3A : vector<16xi32>
      %jit3A = arith.constant 0 : i32
      %broadcast_in_dim3A_21 = vector.broadcast %jit3A : i32 to vector<16xi32>
      %select_n3A = arith.select %eq3A_20, %get3A_6, %broadcast_in_dim3A_21 : vector<16xi1>, vector<16xi32>
      %reduce_sum3A = arith.constant true
      %reduce_sum3A_22 = vector.broadcast %reduce_sum3A : i1 to vector<16xi1>
      %reduce_sum3A_23 = tpu.scan <sum>, %select_n3A masked %reduce_sum3A_22 : vector<16xi32>, vector<16xi1> -> vector<16xi32>
      %reduce_sum3A_24 = vector.extract %reduce_sum3A_23[15] : i32 from vector<16xi32>
      %parallel_loop3A_25 = arith.constant 0 : i32
      %parallel_loop3A_26 = arith.constant 2048 : i32
      %parallel_loop3A_27 = arith.constant 1 : i32
      %parallel_loop3A_28 = scf.for %parallel_loop3A_130 = %parallel_loop3A_25 to %parallel_loop3A_26 step %parallel_loop3A_27 iter_args(%parallel_loop3A_131 = %broadcast_in_dim3A_5) -> (vector<16xf32>)  : i32 {
        %parallel_loop3A_132 = arith.constant 16 : i32
        %parallel_loop3A_133 = arith.muli %parallel_loop3A_130, %parallel_loop3A_132 : i32
        %parallel_loop3A_134 = arith.index_cast %parallel_loop3A_133 : i32 to index
        %parallel_loop3A_135 = tpu.vector_load %arg5[%parallel_loop3A_134] {strides = array<i32>} : memref<32768xf32, #tpu.memory_space<vmem>>, vector<16xf32>,
        %parallel_loop3A_136 = arith.constant 0.000000e+00 : f32
        %parallel_loop3A_137 = vector.broadcast %parallel_loop3A_136 : f32 to vector<16xf32>
        %parallel_loop3A_138 = arith.maximumf %parallel_loop3A_135, %parallel_loop3A_137 : vector<16xf32>
        %parallel_loop3A_139 = vector.bitcast %parallel_loop3A_138 : vector<16xf32> to vector<16xi32>
        %parallel_loop3A_140 = arith.constant 21 : i32
        %parallel_loop3A_141 = vector.broadcast %parallel_loop3A_140 : i32 to vector<16xi32>
        %parallel_loop3A_142 = arith.shrui %parallel_loop3A_139, %parallel_loop3A_141 : vector<16xi32>
        %parallel_loop3A_143 = arith.constant 16 : i32
        %parallel_loop3A_144 = vector.broadcast %parallel_loop3A_143 : i32 to vector<16xi32>
        %parallel_loop3A_145 = arith.muli %parallel_loop3A_142, %parallel_loop3A_144 : vector<16xi32>
        %parallel_loop3A_146 = arith.addi %parallel_loop3A_145, %iota3A : vector<16xi32>
        tpu.vector_store_idx %arg6[%parallel_loop3A_146], %broadcast_in_dim3A_1 {add = true} : memref<16384xi32, #tpu.memory_space<vmem>>[vector<16xi32>], vector<16xi32>,
        %parallel_loop3A_147 = arith.addf %parallel_loop3A_131, %parallel_loop3A_138 : vector<16xf32>
        scf.yield %parallel_loop3A_147 : vector<16xf32>
      } {sc.loop_unroll_factor = 8 : i64, sc.parallel_access}
      %reduce_sum3A_29 = arith.constant true
      %reduce_sum3A_30 = vector.broadcast %reduce_sum3A_29 : i1 to vector<16xi1>
      %reduce_sum3A_31 = tpu.scan <sum>, %parallel_loop3A_28 masked %reduce_sum3A_30 : vector<16xf32>, vector<16xi1> -> vector<16xf32>
      %reduce_sum3A_32 = vector.extract %reduce_sum3A_31[15] : f32 from vector<16xf32>
      %swap3A = arith.constant 16384 : index
      %swap3A_33 = tpu.vector_load %arg7[%swap3A] {strides = array<i32>} : memref<16400xi32, #tpu.memory_space<vmem>>, vector<16xi32>,
      tpu.vector_store %arg7[%swap3A], %broadcast_in_dim3A_3 {strides = array<i32>} : memref<16400xi32, #tpu.memory_space<vmem>>, vector<16xi32>,
      %parallel_loop3A_34 = arith.constant 0 : i32
      %parallel_loop3A_35 = arith.constant 1024 : i32
      %parallel_loop3A_36 = arith.constant 1 : i32
      %parallel_loop3A_37 = scf.for %parallel_loop3A_130 = %parallel_loop3A_34 to %parallel_loop3A_35 step %parallel_loop3A_36 iter_args(%parallel_loop3A_131 = %broadcast_in_dim3A_3) -> (vector<16xi32>)  : i32 {
        %parallel_loop3A_132 = arith.constant 1023 : i32
        %parallel_loop3A_133 = arith.subi %parallel_loop3A_132, %parallel_loop3A_130 : i32
        %parallel_loop3A_134 = arith.constant 16 : i32
        %parallel_loop3A_135 = arith.muli %parallel_loop3A_133, %parallel_loop3A_134 : i32
        %parallel_loop3A_136 = arith.index_cast %parallel_loop3A_135 : i32 to index
        %parallel_loop3A_137 = tpu.vector_load %arg6[%parallel_loop3A_136] {strides = array<i32>} : memref<16384xi32, #tpu.memory_space<vmem>>, vector<16xi32>,
        %parallel_loop3A_138 = arith.addi %parallel_loop3A_131, %parallel_loop3A_137 : vector<16xi32>
        %parallel_loop3A_139 = arith.constant 16 : i32
        %parallel_loop3A_140 = arith.muli %parallel_loop3A_133, %parallel_loop3A_139 : i32
        %parallel_loop3A_141 = arith.index_cast %parallel_loop3A_140 : i32 to index
        %parallel_loop3A_142 = tpu.vector_load %arg6[%parallel_loop3A_141] {strides = array<i32>} : memref<16384xi32, #tpu.memory_space<vmem>>, vector<16xi32>,
        tpu.vector_store %arg6[%parallel_loop3A_141], %broadcast_in_dim3A_3 {strides = array<i32>} : memref<16384xi32, #tpu.memory_space<vmem>>, vector<16xi32>,
        %parallel_loop3A_143 = arith.constant 16 : i32
        %parallel_loop3A_144 = arith.muli %parallel_loop3A_133, %parallel_loop3A_143 : i32
        %parallel_loop3A_145 = arith.index_cast %parallel_loop3A_144 : i32 to index
        %parallel_loop3A_146 = tpu.vector_load %arg7[%parallel_loop3A_145] {strides = array<i32>} : memref<16400xi32, #tpu.memory_space<vmem>>, vector<16xi32>,
        tpu.vector_store %arg7[%parallel_loop3A_145], %parallel_loop3A_138 {strides = array<i32>} : memref<16400xi32, #tpu.memory_space<vmem>>, vector<16xi32>,
        scf.yield %parallel_loop3A_138 : vector<16xi32>
      } {sc.loop_unroll_factor = 8 : i64, sc.parallel_access}
      %scan3A_38 = arith.constant 0 : i32
      %scan3A_39 = arith.constant 1024 : i32
      %scan3A_40 = arith.constant 0 : i32
      %scan3A_41 = arith.constant 10 : i32
      %scan3A_42 = arith.addi %scan3A_40, %scan3A_41 : i32
      %scan3A_43 = arith.constant 1 : i32
      %scan3A_44:2 = scf.for %scan3A_130 = %scan3A_40 to %scan3A_42 step %scan3A_43 iter_args(%scan3A_131 = %scan3A_38, %scan3A_132 = %scan3A_39) -> (i32, i32)  : i32 {
        %add3A_133 = arith.addi %scan3A_131, %scan3A_132 : i32
        %div3A_134 = arith.constant 2 : i32
        %div3A_135 = arith.divsi %add3A_133, %div3A_134 : i32
        %mul3A_136 = arith.constant 16 : i32
        %mul3A_137 = arith.muli %div3A_135, %mul3A_136 : i32
        %get3A_138 = arith.index_cast %mul3A_137 : i32 to index
        %get3A_139 = tpu.vector_load %arg7[%get3A_138] {strides = array<i32>} : memref<16400xi32, #tpu.memory_space<vmem>>, vector<16xi32>,
        %reduce_sum3A_140 = arith.constant true
        %reduce_sum3A_141 = vector.broadcast %reduce_sum3A_140 : i1 to vector<16xi1>
        %reduce_sum3A_142 = tpu.scan <sum>, %get3A_139 masked %reduce_sum3A_141 : vector<16xi32>, vector<16xi1> -> vector<16xi32>
        %reduce_sum3A_143 = vector.extract %reduce_sum3A_142[15] : i32 from vector<16xi32>
        %ge3A = arith.cmpi sge, %reduce_sum3A_143, %reduce_sum3A_24 : i32
        %select_n3A_144 = arith.select %ge3A, %div3A_135, %scan3A_131 : i32
        %select_n3A_145 = arith.select %ge3A, %scan3A_132, %div3A_135 : i32
        scf.yield %select_n3A_144, %select_n3A_145 : i32, i32
      }
      %scan3A_45 = arith.constant 10 : i32
      %add3A_46 = arith.constant 1 : i32
      %add3A_47 = arith.addi %scan3A_44#0, %add3A_46 : i32
      %mul3A_48 = arith.constant 16 : i32
      %mul3A_49 = arith.muli %add3A_47, %mul3A_48 : i32
      %get3A_50 = arith.index_cast %mul3A_49 : i32 to index
      %get3A_51 = tpu.vector_load %arg7[%get3A_50] {strides = array<i32>} : memref<16400xi32, #tpu.memory_space<vmem>>, vector<16xi32>,
      %reduce_sum3A_52 = arith.constant true
      %reduce_sum3A_53 = vector.broadcast %reduce_sum3A_52 : i1 to vector<16xi1>
      %reduce_sum3A_54 = tpu.scan <sum>, %get3A_51 masked %reduce_sum3A_53 : vector<16xi32>, vector<16xi1> -> vector<16xi32>
      %reduce_sum3A_55 = vector.extract %reduce_sum3A_54[15] : i32 from vector<16xi32>
      %sub3A = arith.subi %reduce_sum3A_24, %reduce_sum3A_55 : i32
      %add3A_56 = arith.constant 1 : i32
      %add3A_57 = arith.addi %scan3A_44#0, %add3A_56 : i32
      %shift_left3A = arith.constant 21 : i32
      %shift_left3A_58 = arith.shli %add3A_57, %shift_left3A : i32
      %parallel_loop3A_59 = arith.constant 0 : i32
      %parallel_loop3A_60 = arith.constant 2048 : i32
      %parallel_loop3A_61 = arith.constant 1 : i32
      %parallel_loop3A_62:2 = scf.for %parallel_loop3A_130 = %parallel_loop3A_59 to %parallel_loop3A_60 step %parallel_loop3A_61 iter_args(%parallel_loop3A_131 = %broadcast_in_dim3A_3, %parallel_loop3A_132 = %broadcast_in_dim3A_5) -> (vector<16xi32>, vector<16xf32>)  : i32 {
        %parallel_loop3A_133 = arith.constant 16 : i32
        %parallel_loop3A_134 = arith.muli %parallel_loop3A_130, %parallel_loop3A_133 : i32
        %parallel_loop3A_135 = arith.index_cast %parallel_loop3A_134 : i32 to index
        %parallel_loop3A_136 = tpu.vector_load %arg5[%parallel_loop3A_135] {strides = array<i32>} : memref<32768xf32, #tpu.memory_space<vmem>>, vector<16xf32>,
        %parallel_loop3A_137 = arith.constant 0.000000e+00 : f32
        %parallel_loop3A_138 = vector.broadcast %parallel_loop3A_137 : f32 to vector<16xf32>
        %parallel_loop3A_139 = arith.maximumf %parallel_loop3A_136, %parallel_loop3A_138 : vector<16xf32>
        %parallel_loop3A_140 = vector.bitcast %parallel_loop3A_139 : vector<16xf32> to vector<16xi32>
        %parallel_loop3A_141 = arith.constant 21 : i32
        %parallel_loop3A_142 = vector.broadcast %parallel_loop3A_141 : i32 to vector<16xi32>
        %parallel_loop3A_143 = arith.shrui %parallel_loop3A_140, %parallel_loop3A_142 : vector<16xi32>
        %parallel_loop3A_144 = vector.broadcast %scan3A_44#0 : i32 to vector<16xi32>
        %parallel_loop3A_145 = arith.cmpi eq, %parallel_loop3A_143, %parallel_loop3A_144 : vector<16xi32>
        %parallel_loop3A_146 = arith.extui %parallel_loop3A_145 : vector<16xi1> to vector<16xi32>
        %parallel_loop3A_147 = arith.constant true
        %parallel_loop3A_148 = vector.broadcast %parallel_loop3A_147 : i1 to vector<16xi1>
        %parallel_loop3A_149 = tpu.scan <sum>, %parallel_loop3A_146 masked %parallel_loop3A_148 : vector<16xi32>, vector<16xi1> -> vector<16xi32>
        %parallel_loop3A_150 = arith.addi %parallel_loop3A_131, %parallel_loop3A_149 : vector<16xi32>
        %parallel_loop3A_151 = arith.constant 1 : i32
        %parallel_loop3A_152 = vector.broadcast %parallel_loop3A_151 : i32 to vector<16xi32>
        %parallel_loop3A_153 = arith.subi %parallel_loop3A_150, %parallel_loop3A_152 : vector<16xi32>
        tpu.vector_store_idx %arg5[%parallel_loop3A_153], %parallel_loop3A_139 masked %parallel_loop3A_145 : memref<32768xf32, #tpu.memory_space<vmem>>[vector<16xi32>], vector<16xf32>, vector<16xi1>
        %parallel_loop3A_154 = tpu.all_reduce %parallel_loop3A_145 {dim = 0 : i64, kind = #tpu.reduction_kind<sum>} : vector<16xi1> -> vector<16xi32>
        %parallel_loop3A_155 = arith.addi %parallel_loop3A_131, %parallel_loop3A_154 : vector<16xi32>
        %parallel_loop3A_156 = vector.broadcast %shift_left3A_58 : i32 to vector<16xi32>
        %parallel_loop3A_157 = arith.cmpi sge, %parallel_loop3A_140, %parallel_loop3A_156 : vector<16xi32>
        %parallel_loop3A_158 = arith.constant 0.000000e+00 : f32
        %parallel_loop3A_159 = vector.broadcast %parallel_loop3A_158 : f32 to vector<16xf32>
        %parallel_loop3A_160 = arith.select %parallel_loop3A_157, %parallel_loop3A_139, %parallel_loop3A_159 : vector<16xi1>, vector<16xf32>
        %parallel_loop3A_161 = arith.addf %parallel_loop3A_132, %parallel_loop3A_160 : vector<16xf32>
        scf.yield %parallel_loop3A_155, %parallel_loop3A_161 : vector<16xi32>, vector<16xf32>
      } {sc.loop_unroll_factor = 8 : i64, sc.parallel_access}
      %reduce_max3A = arith.constant true
      %reduce_max3A_63 = vector.broadcast %reduce_max3A : i1 to vector<16xi1>
      %reduce_max3A_64 = arith.constant -2147483648 : i32
      %reduce_max3A_65 = vector.broadcast %reduce_max3A_64 : i32 to vector<16xi32>
      %reduce_max3A_66 = arith.xori %parallel_loop3A_62#0, %reduce_max3A_65 : vector<16xi32>
      %reduce_max3A_67 = tpu.scan <max>, %reduce_max3A_66 masked %reduce_max3A_63 : vector<16xi32>, vector<16xi1> -> vector<16xi32>
      %reduce_max3A_68 = arith.xori %reduce_max3A_67, %reduce_max3A_65 : vector<16xi32>
      %reduce_max3A_69 = vector.extract %reduce_max3A_68[15] : i32 from vector<16xi32>
      %reduce_sum3A_70 = arith.constant true
      %reduce_sum3A_71 = vector.broadcast %reduce_sum3A_70 : i1 to vector<16xi1>
      %reduce_sum3A_72 = tpu.scan <sum>, %parallel_loop3A_62#1 masked %reduce_sum3A_71 : vector<16xf32>, vector<16xi1> -> vector<16xf32>
      %reduce_sum3A_73 = vector.extract %reduce_sum3A_72[15] : f32 from vector<16xf32>
      %add3A_74 = arith.constant 31 : i32
      %add3A_75 = arith.addi %reduce_max3A_69, %add3A_74 : i32
      %div3A = arith.constant 32 : i32
      %div3A_76 = arith.divsi %add3A_75, %div3A : i32
      %add3A_77 = vector.broadcast %reduce_max3A_69 : i32 to vector<16xi32>
      %add3A_78 = arith.addi %add3A_77, %iota3A : vector<16xi32>
      %add3A_79 = vector.broadcast %reduce_max3A_69 : i32 to vector<16xi32>
      %add3A_80 = arith.addi %add3A_79, %iota3A : vector<16xi32>
      %mul3A_81 = arith.constant 32 : i32
      %mul3A_82 = arith.muli %div3A_76, %mul3A_81 : i32
      %lt3A = vector.broadcast %mul3A_82 : i32 to vector<16xi32>
      %lt3A_83 = arith.cmpi slt, %add3A_80, %lt3A : vector<16xi32>
      tpu.vector_store_idx %arg5[%add3A_78], %broadcast_in_dim3A_5 masked %lt3A_83 : memref<32768xf32, #tpu.memory_space<vmem>>[vector<16xi32>], vector<16xf32>, vector<16xi1>
      %add3A_84 = arith.constant 16 : i32
      %add3A_85 = arith.addi %reduce_max3A_69, %add3A_84 : i32
      %add3A_86 = vector.broadcast %add3A_85 : i32 to vector<16xi32>
      %add3A_87 = arith.addi %add3A_86, %iota3A : vector<16xi32>
      %add3A_88 = arith.constant 16 : i32
      %add3A_89 = arith.addi %reduce_max3A_69, %add3A_88 : i32
      %add3A_90 = vector.broadcast %add3A_89 : i32 to vector<16xi32>
      %add3A_91 = arith.addi %add3A_90, %iota3A : vector<16xi32>
      %mul3A_92 = arith.constant 32 : i32
      %mul3A_93 = arith.muli %div3A_76, %mul3A_92 : i32
      %lt3A_94 = vector.broadcast %mul3A_93 : i32 to vector<16xi32>
      %lt3A_95 = arith.cmpi slt, %add3A_91, %lt3A_94 : vector<16xi32>
      tpu.vector_store_idx %arg5[%add3A_87], %broadcast_in_dim3A_5 masked %lt3A_95 : memref<32768xf32, #tpu.memory_space<vmem>>[vector<16xi32>], vector<16xf32>, vector<16xi1>
      %shift_left3A_96 = arith.constant 21 : i32
      %shift_left3A_97 = arith.shli %scan3A_44#0, %shift_left3A_96 : i32
      %scan3A_98 = arith.constant 0 : i32
      %scan3A_99 = arith.constant 21 : i32
      %scan3A_100 = arith.addi %scan3A_98, %scan3A_99 : i32
      %scan3A_101 = arith.constant 1 : i32
      %scan3A_102 = scf.for %scan3A_130 = %scan3A_98 to %scan3A_100 step %scan3A_101 iter_args(%scan3A_131 = %shift_left3A_97) -> (i32)  : i32 {
        %sub3A_132 = arith.constant 20 : i32
        %sub3A_133 = arith.subi %sub3A_132, %scan3A_130 : i32
        %shift_left3A_134 = arith.constant 1 : i32
        %shift_left3A_135 = arith.shli %shift_left3A_134, %sub3A_133 : i32
        %or3A = arith.ori %scan3A_131, %shift_left3A_135 : i32
        %parallel_loop3A_136 = arith.constant 0 : i32
        %parallel_loop3A_137 = arith.constant 1 : i32
        %parallel_loop3A_138 = scf.for %parallel_loop3A_144 = %parallel_loop3A_136 to %div3A_76 step %parallel_loop3A_137 iter_args(%parallel_loop3A_145 = %broadcast_in_dim3A_3) -> (vector<16xi32>)  : i32 {
          %parallel_loop3A_146 = arith.constant 32 : i32
          %parallel_loop3A_147 = arith.muli %parallel_loop3A_144, %parallel_loop3A_146 : i32
          %parallel_loop3A_148 = arith.index_cast %parallel_loop3A_147 : i32 to index
          %parallel_loop3A_149 = tpu.vector_load %arg5[%parallel_loop3A_148] {strides = array<i32>} : memref<32768xf32, #tpu.memory_space<vmem>>, vector<16xf32>,
          %parallel_loop3A_150 = vector.bitcast %parallel_loop3A_149 : vector<16xf32> to vector<16xi32>
          %parallel_loop3A_151 = arith.constant 32 : i32
          %parallel_loop3A_152 = arith.muli %parallel_loop3A_144, %parallel_loop3A_151 : i32
          %parallel_loop3A_153 = arith.constant 16 : i32
          %parallel_loop3A_154 = arith.addi %parallel_loop3A_152, %parallel_loop3A_153 : i32
          %parallel_loop3A_155 = arith.index_cast %parallel_loop3A_154 : i32 to index
          %parallel_loop3A_156 = tpu.vector_load %arg5[%parallel_loop3A_155] {strides = array<i32>} : memref<32768xf32, #tpu.memory_space<vmem>>, vector<16xf32>,
          %parallel_loop3A_157 = vector.bitcast %parallel_loop3A_156 : vector<16xf32> to vector<16xi32>
          %parallel_loop3A_158 = vector.broadcast %or3A : i32 to vector<16xi32>
          %parallel_loop3A_159 = arith.cmpi sge, %parallel_loop3A_150, %parallel_loop3A_158 : vector<16xi32>
          %parallel_loop3A_160 = arith.extui %parallel_loop3A_159 : vector<16xi1> to vector<16xi32>
          %parallel_loop3A_161 = arith.addi %parallel_loop3A_145, %parallel_loop3A_160 : vector<16xi32>
          %parallel_loop3A_162 = vector.broadcast %or3A : i32 to vector<16xi32>
          %parallel_loop3A_163 = arith.cmpi sge, %parallel_loop3A_157, %parallel_loop3A_162 : vector<16xi32>
          %parallel_loop3A_164 = arith.extui %parallel_loop3A_163 : vector<16xi1> to vector<16xi32>
          %parallel_loop3A_165 = arith.addi %parallel_loop3A_161, %parallel_loop3A_164 : vector<16xi32>
          scf.yield %parallel_loop3A_165 : vector<16xi32>
        } {sc.loop_unroll_factor = 4 : i64, sc.parallel_access}
        %reduce_sum3A_139 = arith.constant true
        %reduce_sum3A_140 = vector.broadcast %reduce_sum3A_139 : i1 to vector<16xi1>
        %reduce_sum3A_141 = tpu.scan <sum>, %parallel_loop3A_138 masked %reduce_sum3A_140 : vector<16xi32>, vector<16xi1> -> vector<16xi32>
        %reduce_sum3A_142 = vector.extract %reduce_sum3A_141[15] : i32 from vector<16xi32>
        %ge3A = arith.cmpi sge, %reduce_sum3A_142, %sub3A : i32
        %select_n3A_143 = arith.select %ge3A, %or3A, %scan3A_131 : i32
        scf.yield %select_n3A_143 : i32
      }
      %scan3A_103 = arith.constant 21 : i32
      %parallel_loop3A_104 = arith.constant 0 : i32
      %parallel_loop3A_105 = arith.constant 1 : i32
      %parallel_loop3A_106:2 = scf.for %parallel_loop3A_130 = %parallel_loop3A_104 to %div3A_76 step %parallel_loop3A_105 iter_args(%parallel_loop3A_131 = %broadcast_in_dim3A_3, %parallel_loop3A_132 = %broadcast_in_dim3A_5) -> (vector<16xi32>, vector<16xf32>)  : i32 {
        %parallel_loop3A_133 = arith.constant 32 : i32
        %parallel_loop3A_134 = arith.muli %parallel_loop3A_130, %parallel_loop3A_133 : i32
        %parallel_loop3A_135 = arith.index_cast %parallel_loop3A_134 : i32 to index
        %parallel_loop3A_136 = tpu.vector_load %arg5[%parallel_loop3A_135] {strides = array<i32>} : memref<32768xf32, #tpu.memory_space<vmem>>, vector<16xf32>,
        %parallel_loop3A_137 = arith.constant 32 : i32
        %parallel_loop3A_138 = arith.muli %parallel_loop3A_130, %parallel_loop3A_137 : i32
        %parallel_loop3A_139 = arith.constant 16 : i32
        %parallel_loop3A_140 = arith.addi %parallel_loop3A_138, %parallel_loop3A_139 : i32
        %parallel_loop3A_141 = arith.index_cast %parallel_loop3A_140 : i32 to index
        %parallel_loop3A_142 = tpu.vector_load %arg5[%parallel_loop3A_141] {strides = array<i32>} : memref<32768xf32, #tpu.memory_space<vmem>>, vector<16xf32>,
        %parallel_loop3A_143 = vector.bitcast %parallel_loop3A_136 : vector<16xf32> to vector<16xi32>
        %parallel_loop3A_144 = vector.broadcast %scan3A_102 : i32 to vector<16xi32>
        %parallel_loop3A_145 = arith.cmpi sgt, %parallel_loop3A_143, %parallel_loop3A_144 : vector<16xi32>
        %parallel_loop3A_146 = vector.bitcast %parallel_loop3A_142 : vector<16xf32> to vector<16xi32>
        %parallel_loop3A_147 = vector.broadcast %scan3A_102 : i32 to vector<16xi32>
        %parallel_loop3A_148 = arith.cmpi sgt, %parallel_loop3A_146, %parallel_loop3A_147 : vector<16xi32>
        %parallel_loop3A_149 = arith.extui %parallel_loop3A_145 : vector<16xi1> to vector<16xi32>
        %parallel_loop3A_150 = arith.addi %parallel_loop3A_131, %parallel_loop3A_149 : vector<16xi32>
        %parallel_loop3A_151 = arith.extui %parallel_loop3A_148 : vector<16xi1> to vector<16xi32>
        %parallel_loop3A_152 = arith.addi %parallel_loop3A_150, %parallel_loop3A_151 : vector<16xi32>
        %parallel_loop3A_153 = arith.constant 0.000000e+00 : f32
        %parallel_loop3A_154 = vector.broadcast %parallel_loop3A_153 : f32 to vector<16xf32>
        %parallel_loop3A_155 = arith.select %parallel_loop3A_145, %parallel_loop3A_136, %parallel_loop3A_154 : vector<16xi1>, vector<16xf32>
        %parallel_loop3A_156 = arith.addf %parallel_loop3A_132, %parallel_loop3A_155 : vector<16xf32>
        %parallel_loop3A_157 = arith.constant 0.000000e+00 : f32
        %parallel_loop3A_158 = vector.broadcast %parallel_loop3A_157 : f32 to vector<16xf32>
        %parallel_loop3A_159 = arith.select %parallel_loop3A_148, %parallel_loop3A_142, %parallel_loop3A_158 : vector<16xi1>, vector<16xf32>
        %parallel_loop3A_160 = arith.addf %parallel_loop3A_156, %parallel_loop3A_159 : vector<16xf32>
        scf.yield %parallel_loop3A_152, %parallel_loop3A_160 : vector<16xi32>, vector<16xf32>
      } {sc.loop_unroll_factor = 4 : i64, sc.parallel_access}
      %reduce_sum3A_107 = arith.constant true
      %reduce_sum3A_108 = vector.broadcast %reduce_sum3A_107 : i1 to vector<16xi1>
      %reduce_sum3A_109 = tpu.scan <sum>, %parallel_loop3A_106#0 masked %reduce_sum3A_108 : vector<16xi32>, vector<16xi1> -> vector<16xi32>
      %reduce_sum3A_110 = vector.extract %reduce_sum3A_109[15] : i32 from vector<16xi32>
      %add3A_111 = arith.addi %reduce_sum3A_55, %reduce_sum3A_110 : i32
      %reduce_sum3A_112 = arith.constant true
      %reduce_sum3A_113 = vector.broadcast %reduce_sum3A_112 : i1 to vector<16xi1>
      %reduce_sum3A_114 = tpu.scan <sum>, %parallel_loop3A_106#1 masked %reduce_sum3A_113 : vector<16xf32>, vector<16xi1> -> vector<16xf32>
      %reduce_sum3A_115 = vector.extract %reduce_sum3A_114[15] : f32 from vector<16xf32>
      %add3A_116 = arith.addf %reduce_sum3A_73, %reduce_sum3A_115 : f32
      %broadcast_in_dim3A_117 = vector.broadcast %scan3A_102 : i32 to vector<16xi32>
      %bitcast3A = vector.bitcast %broadcast_in_dim3A_117 : vector<16xi32> to vector<16xf32>
      %sub3A_118 = arith.subi %reduce_sum3A_24, %add3A_111 : i32
      %convert_element_type3A = arith.sitofp %sub3A_118 : i32 to f32
      %mul3A_119 = vector.broadcast %convert_element_type3A : f32 to vector<16xf32>
      %mul3A_120 = arith.mulf %mul3A_119, %bitcast3A : vector<16xf32>
      %add3A_121 = vector.broadcast %add3A_116 : f32 to vector<16xf32>
      %add3A_122 = arith.addf %add3A_121, %mul3A_120 : vector<16xf32>
      %div3A_123 = vector.broadcast %reduce_sum3A_32 : f32 to vector<16xf32>
      %div3A_124 = arith.divf %div3A_123, %add3A_122 : vector<16xf32>
      %broadcast_in_dim3A_125 = vector.broadcast %scan3A_15 : i32 to vector<16xi32>
      %eq3A_126 = arith.constant 0 : i32
      %eq3A_127 = vector.broadcast %eq3A_126 : i32 to vector<16xi32>
      %eq3A_128 = arith.cmpi eq, %iota3A, %eq3A_127 : vector<16xi32>
      tpu.vector_store_idx %arg9[%broadcast_in_dim3A_125], %div3A_124 masked %eq3A_128 : memref<16xf32, #tpu.memory_space<vmem>>[vector<16xi32>], vector<16xf32>, vector<16xi1>
      %scan3A_129 = arith.constant 0 : i32
      scf.yield %scan3A_129 : i32
    }
    %scan3A_14 = arith.constant 4 : i32
    "tpu.region"() ({
      %run_scoped3A = tpu.sem_alloc : memref<!tpu.dma_semaphore, #tpu.memory_space<semaphore_mem>>
      %dma_start3A = arith.constant 0 : i32
      %dma_start3A_15 = tpu.memref_slice %arg4[%add3A, %dma_start3A] : memref<32x16xf32, #tpu.memory_space<hbm>> -> memref<1x16xf32, #tpu.memory_space<hbm>>
      %dma_start3A_16 = tpu.memref_squeeze %dma_start3A_15 : memref<1x16xf32, #tpu.memory_space<hbm>> -> memref<16xf32, #tpu.memory_space<hbm>>
      %dma_start3A_17 = arith.constant 0 : i32
      %dma_start3A_18 = tpu.memref_slice %arg4[%add3A, %dma_start3A_17] : memref<32x16xf32, #tpu.memory_space<hbm>> -> memref<1x16xf32, #tpu.memory_space<hbm>>
      %dma_start3A_19 = tpu.memref_squeeze %dma_start3A_18 : memref<1x16xf32, #tpu.memory_space<hbm>> -> memref<16xf32, #tpu.memory_space<hbm>>
      tpu.enqueue_dma source(%arg9 : memref<16xf32, #tpu.memory_space<vmem>>) target(%dma_start3A_19 : memref<16xf32, #tpu.memory_space<hbm>>) target_semaphore(%run_scoped3A : memref<!tpu.dma_semaphore, #tpu.memory_space<semaphore_mem>>)
      %dma_wait3A = arith.constant 0 : i32
      %dma_wait3A_20 = tpu.memref_slice %arg4[%add3A, %dma_wait3A] : memref<32x16xf32, #tpu.memory_space<hbm>> -> memref<1x16xf32, #tpu.memory_space<hbm>>
      %dma_wait3A_21 = tpu.memref_squeeze %dma_wait3A_20 : memref<1x16xf32, #tpu.memory_space<hbm>> -> memref<16xf32, #tpu.memory_space<hbm>>
      %dma_wait3A_22 = arith.constant 0 : i32
      %dma_wait3A_23 = tpu.memref_slice %arg4[%add3A, %dma_wait3A_22] : memref<32x16xf32, #tpu.memory_space<hbm>> -> memref<1x16xf32, #tpu.memory_space<hbm>>
      %dma_wait3A_24 = tpu.memref_squeeze %dma_wait3A_23 : memref<1x16xf32, #tpu.memory_space<hbm>> -> memref<16xf32, #tpu.memory_space<hbm>>
      tpu.wait_dma2 semaphore(%run_scoped3A : memref<!tpu.dma_semaphore, #tpu.memory_space<semaphore_mem>>) src(%arg9 : memref<16xf32, #tpu.memory_space<vmem>>) dst(%dma_wait3A_24 : memref<16xf32, #tpu.memory_space<hbm>>)
      tpu.yield
    }) : () -> ()
    return
  }
}

module attributes {stable_mosaic.version = 14 : i64} {
  func.func @_mm_body(%arg0: i32, %arg1: i32, %arg2: memref<128x4096xf32, #tpu.memory_space<vmem>>, %arg3: memref<256x4096xf32, #tpu.memory_space<vmem>>, %arg4: memref<128x256xf32, #tpu.memory_space<vmem>>) attributes {dimension_semantics = [#tpu.dimension_semantics<arbitrary>, #tpu.dimension_semantics<arbitrary>], iteration_bounds = array<i64: 4, 8>, scalar_prefetch = 0 : i64, scratch_operands = 0 : i64, tpu.core_type = #tpu.core_type<tc>, window_params = [{transform_indices = @transform_0, window_bounds = array<i64: 128, 4096>}, {transform_indices = @transform_1, window_bounds = array<i64: 256, 4096>}, {transform_indices = @transform_2, window_bounds = array<i64: 128, 256>}]} {
    %eq3A = arith.constant 0 : i32
    %eq3A_0 = arith.cmpi eq, %arg1, %eq3A : i32
    %convert_element_type3A = arith.extui %eq3A_0 : i1 to i32
    %cond3A = arith.constant 0 : i32
    %cond3A_1 = arith.cmpi ne, %convert_element_type3A, %cond3A : i32
    scf.if %cond3A_1 {
      %broadcast_in_dim3A = arith.constant 0.000000e+00 : f32
      %broadcast_in_dim3A_13 = vector.broadcast %broadcast_in_dim3A : f32 to vector<128x256xf32>
      %swap3A_14 = arith.constant 0 : index
      %swap3A_15 = arith.constant 0 : index
      %swap3A_16 = vector.load %arg4[%swap3A_14, %swap3A_15] : memref<128x256xf32, #tpu.memory_space<vmem>>, vector<128x256xf32>
      tpu.vector_store %arg4[%swap3A_14, %swap3A_15], %broadcast_in_dim3A_13 {strides = array<i32>} : memref<128x256xf32, #tpu.memory_space<vmem>>, vector<128x256xf32>,
    } else {
    }
    %get3A = arith.constant 0 : index
    %get3A_2 = arith.constant 0 : index
    %get3A_3 = vector.load %arg4[%get3A, %get3A_2] : memref<128x256xf32, #tpu.memory_space<vmem>>, vector<128x256xf32>
    %get3A_4 = arith.constant 0 : index
    %get3A_5 = arith.constant 0 : index
    %get3A_6 = vector.load %arg2[%get3A_4, %get3A_5] : memref<128x4096xf32, #tpu.memory_space<vmem>>, vector<128x4096xf32>
    %get3A_7 = arith.constant 0 : index
    %get3A_8 = arith.constant 0 : index
    %get3A_9 = vector.load %arg3[%get3A_7, %get3A_8] : memref<256x4096xf32, #tpu.memory_space<vmem>>, vector<256x4096xf32>
    %dot_general3A = arith.constant dense<0.000000e+00> : vector<128x256xf32>
    %dot_general3A_10 = tpu.matmul %get3A_6, %get3A_9, %dot_general3A {dimension_numbers = #tpu.dot_dimension_numbers<[1], [1], [0], [0], [0, 0, 1, 0], [], []>, transpose_lhs_hint = false} : vector<128x4096xf32>, vector<256x4096xf32>, vector<128x256xf32> -> vector<128x256xf32>
    %add3A = arith.addf %get3A_3, %dot_general3A_10 : vector<128x256xf32>
    %swap3A = arith.constant 0 : index
    %swap3A_11 = arith.constant 0 : index
    %swap3A_12 = vector.load %arg4[%swap3A, %swap3A_11] : memref<128x256xf32, #tpu.memory_space<vmem>>, vector<128x256xf32>
    tpu.vector_store %arg4[%swap3A, %swap3A_11], %add3A {strides = array<i32>} : memref<128x256xf32, #tpu.memory_space<vmem>>, vector<128x256xf32>,
    return
  }
  func.func @transform_0(%arg0: i32, %arg1: i32) -> (i32, i32) {
    %c0_i32 = arith.constant 0 : i32
    %c0_i32_0 = arith.constant 0 : i32
    return %c0_i32, %arg1 : i32, i32
  }
  func.func @transform_1(%arg0: i32, %arg1: i32) -> (i32, i32) {
    %c0_i32 = arith.constant 0 : i32
    return %arg0, %arg1 : i32, i32
  }
  func.func @transform_2(%arg0: i32, %arg1: i32) -> (i32, i32) {
    %c0_i32 = arith.constant 0 : i32
    %c0_i32_0 = arith.constant 0 : i32
    return %c0_i32, %arg0 : i32, i32
  }
}

module attributes {stable_mosaic.version = 14 : i64} {
  func.func @_comb_body(%arg0: memref<128x1024xf32, #tpu.memory_space<vmem>>, %arg1: memref<128x1xf32, #tpu.memory_space<vmem>>, %arg2: memref<1x1024xf32, #tpu.memory_space<vmem>>, %arg3: memref<128x1024xf32, #tpu.memory_space<vmem>>) attributes {dimension_semantics = [], scalar_prefetch = 0 : i64, scratch_operands = 0 : i64, tpu.core_type = #tpu.core_type<tc>} {
    %get3A = arith.constant 0 : index
    %get3A_0 = arith.constant 0 : index
    %get3A_1 = vector.load %arg0[%get3A, %get3A_0] : memref<128x1024xf32, #tpu.memory_space<vmem>>, vector<128x1024xf32>
    %get3A_2 = arith.constant 0 : index
    %get3A_3 = arith.constant 0 : index
    %get3A_4 = vector.load %arg1[%get3A_2, %get3A_3] : memref<128x1xf32, #tpu.memory_space<vmem>>, vector<128x1xf32>
    %exp3A = math.exp %get3A_4 : vector<128x1xf32>
    %mul3A = vector.broadcast %exp3A : vector<128x1xf32> to vector<128x1024xf32>
    %mul3A_5 = arith.mulf %get3A_1, %mul3A : vector<128x1024xf32>
    %get3A_6 = arith.constant 0 : index
    %get3A_7 = arith.constant 0 : index
    %get3A_8 = vector.load %arg2[%get3A_6, %get3A_7] : memref<1x1024xf32, #tpu.memory_space<vmem>>, vector<1x1024xf32>
    %add3A = vector.broadcast %get3A_8 : vector<1x1024xf32> to vector<128x1024xf32>
    %add3A_9 = arith.addf %mul3A_5, %add3A : vector<128x1024xf32>
    %swap3A = arith.constant 0 : index
    %swap3A_10 = arith.constant 0 : index
    %swap3A_11 = vector.load %arg3[%swap3A, %swap3A_10] : memref<128x1024xf32, #tpu.memory_space<vmem>>, vector<128x1024xf32>
    tpu.vector_store %arg3[%swap3A, %swap3A_10], %add3A_9 {strides = array<i32>} : memref<128x1024xf32, #tpu.memory_space<vmem>>, vector<128x1024xf32>,
    return
  }
}

</mosaic_0001>

<sc_bundles>
// kernel: kernel.5.cloned.1.call-start
scs
__scs_entry_jumppad:
0x0: {  	(pc) =	sbr.rel $0x88, $3  }
0x1: {  	(tag) =	ssettag $0x0;
	lr =	simm.s32 $0x1  }
0x2: {  	[smem:$0x3F9D] =	sst lr;
	_ =	strace $0xD0000000  }
0x3: {  	_ = 	snop  }
0x4: {  	_ = 	snop  }
0x5: {  	_ = 	snop  }
0x6: {  	_ = 	snop  }
0x7: {  	_ = 	snop  }
__scs_overlays_trampoline_lowered:
0x8: {  	[smem:$0x3FAC] =	sst s0  }
0x9: {  	[smem:$0x3FAD] =	sst s1  }
0xa: {  	[smem:$0x3FAE] =	sst s2  }
0xb: {  	[smem:$0x3FAF] =	sst s3  }
0xc: {  	[smem:$0x3FB0] =	sst s4  }
0xd: {  	[smem:$0x3FB1] =	sst s5  }
0xe: {  	[smem:$0x3FB2] =	sst s6  }
0xf: {  	[smem:$0x3FB3] =	sst s7  }
0x10: {  	[smem:$0x3FB4] =	sst s8  }
0x11: {  	[smem:$0x3FB5] =	sst s9;
	s0 =	simm.s32 @!p0 $0x0  }
0x12: {  	s1 =	sld [smem:$0x3F9B];
	s0 =	simm.s32 @p0 $0x1  }
0x13: {  	[smem:$0x3FB6] =	sst s0;
	s0 =	simm.s32 @!p1 $0x0  }
0x14: {  	s2 =	sld [smem:$0x3F9A];
	s0 =	simm.s32 @p1 $0x1  }
0x15: {  	[smem:$0x3FB7] =	sst s0;
	s0 =	simm.s32 @!p2 $0x0  }
0x16: {  	s3 =	sld [smem:$0x3FDB];
	s0 =	simm.s32 @p2 $0x1  }
0x17: {  	s4 =	simm.s32 $0x1BF5;
	[smem:$0x3FB9] =	sst s0  }
0x18: {  	s0 =	sld [smem:$0x3F9C];
	_ =	swait.ge [sflag:s4], $0x0  }
0x19: {  	s7 =	sld [smem:$0x3F9D]  }
0x1a: {  	s8 =	sadd.s32 $0xFFFFE003, lr  }
0x1b: {  	s9 =	sadd.s32 $0xFFFFFEF7, lr;
	s5 =	simm.s32 $0xFFFFFFFF;
	p2 =	slt.u32 s8, $0xFFFFF086  }
0x1c: {  	p1 =	slt.u32 s9, $0xF7A;
	s5 =	simm.s32 @!p2 $0x0  }
0x1d: {  	s5 =	simm.s32 @p1 $0x1;
	p0 =	seq.s32 s7, s2  }
0x1e: {  	s7 =	smul.u32 @!p0 $0xF7A, s2;
	p2 =	seq.s32 @!p0 s5, $0x0  }
0x1f: {  	s9 =	smul.u32 $0xF7A, s1;
	s8 =	simm.s32 @!p0 $0x1BF5;
	p2 =	por !p2, p0  }
0x20: {  	[sflag:s8] =	ssyncset.s32 @!p0 $0xFFFFF086;
	s6 =	sadd.s32 @!p0 s3, s7;
	s7 =	simm.s32 @!p0 $0x108  }
0x21: {  	s3 =	sadd.s32 s3, s9;
	s6 =	sadd.s32 @!p0 $0x88, s6;
	s7 =	simm.s32 @p2 $0x1082  }
0x22: {  	[simem:s7], [sflag:s8] =	dma.local @!p0 [hbm:s6], $0xF7A  }
0x23: {  	s9 =	sor.u32 $0xD0000000, s2;
	s6 =	simm.s32 $0x108;
	_ =	swait.ge @!p0 [sflag:s8], $0x0  }
0x24: {  	s3 =	sadd.s32 $0x88, s3;
	s6 =	simm.s32 @!p1 $0x1082;
	[sflag:s4] =	ssyncset.s32 $0xFFFFF086  }
0x25: {  	[simem:s6], [sflag:s4] =	dma.local [hbm:s3], $0xF7A  }
0x26: {  	[smem:$0x3F9D] =	sst s1;
	(tag) =	ssettag s2;
	_ =	strace s9  }
0x27: {  	s1 =	sld [smem:$0x3FAD]  }
0x28: {  	s2 =	sld [smem:$0x3FAE]  }
0x29: {  	s4 =	sld [smem:$0x3FB0]  }
0x2a: {  	p0 =	seq.s32 s5, $0x0;
	s5 =	sld [smem:$0x3FB1]  }
0x2b: {  	s6 =	sld [smem:$0x3FB2]  }
0x2c: {  	s7 =	sld [smem:$0x3FB3]  }
0x2d: {  	s3 =	simm.s32 $0x108;
	s8 =	sld [smem:$0x3FB4]  }
0x2e: {  	s3 =	simm.s32 @!p0 $0x1082;
	s9 =	sld [smem:$0x3FB5]  }
0x2f: {  	lr =	sadd.s32 s0, s3;
	s0 =	sld [smem:$0x3FAC]  }
0x30: {  	s3 =	sld [smem:$0x3FAF]  }
0x31: {  	[smem:$0x3FB8] =	sst s10  }
0x32: {  	s10 =	sld [smem:$0x3FB6];
	_ =	sdelay $0x3  }
0x33: {  	p0 =	seq.s32 s10, $0x1;
	s10 =	sld [smem:$0x3FB8];
	_ =	sdelay $0x3  }
0x34: {  	[smem:$0x3FB8] =	sst s10  }
0x35: {  	s10 =	sld [smem:$0x3FB7];
	_ =	sdelay $0x3  }
0x36: {  	p1 =	seq.s32 s10, $0x1;
	s10 =	sld [smem:$0x3FB8];
	_ =	sdelay $0x3  }
0x37: {  	[smem:$0x3FB8] =	sst s10  }
0x38: {  	s10 =	sld [smem:$0x3FB9]  }
0x39: {  	_ = 	snop;
	(pc) =	sbr.ind lr, $3  }
0x3a: {  	_ = 	snop  }
0x3b: {  	_ = 	snop  }
0x3c: {  	p2 =	seq.s32 s10, $0x1;
	s10 =	sld [smem:$0x3FB8]  }
0x3d: {  	_ =	shalt  }
0x3e: {  	_ =	shalt  }
0x3f: {  	_ =	shalt  }
0x40: {  	_ =	shalt  }
0x41: {  	_ =	shalt  }
0x42: {  	_ =	shalt  }
0x43: {  	_ =	shalt  }
0x44: {  	_ =	shalt  }
0x45: {  	_ =	shalt  }
0x46: {  	_ =	shalt  }
0x47: {  	_ =	shalt  }
0x48: {  	_ =	shalt  }
0x49: {  	_ =	shalt  }
0x4a: {  	_ =	shalt  }
0x4b: {  	_ =	shalt  }
0x4c: {  	_ =	shalt  }
0x4d: {  	_ =	shalt  }
0x4e: {  	_ =	shalt  }
0x4f: {  	_ =	shalt  }
0x50: {  	_ =	shalt  }
0x51: {  	_ =	shalt  }
0x52: {  	_ =	shalt  }
0x53: {  	_ =	shalt  }
0x54: {  	_ =	shalt  }
0x55: {  	_ =	shalt  }
0x56: {  	_ =	shalt  }
0x57: {  	_ =	shalt  }
0x58: {  	_ =	shalt  }
0x59: {  	_ =	shalt  }
0x5a: {  	_ =	shalt  }
0x5b: {  	_ =	shalt  }
0x5c: {  	_ =	shalt  }
0x5d: {  	_ =	shalt  }
0x5e: {  	_ =	shalt  }
0x5f: {  	_ =	shalt  }
0x60: {  	_ =	shalt  }
0x61: {  	_ =	shalt  }
0x62: {  	_ =	shalt  }
0x63: {  	_ =	shalt  }
0x64: {  	_ =	shalt  }
0x65: {  	_ =	shalt  }
0x66: {  	_ =	shalt  }
0x67: {  	_ =	shalt  }
0x68: {  	_ =	shalt  }
0x69: {  	_ =	shalt  }
0x6a: {  	_ =	shalt  }
0x6b: {  	_ =	shalt  }
0x6c: {  	_ =	shalt  }
0x6d: {  	_ =	shalt  }
0x6e: {  	_ =	shalt  }
0x6f: {  	_ =	shalt  }
0x70: {  	_ =	shalt  }
0x71: {  	_ =	shalt  }
0x72: {  	_ =	shalt  }
0x73: {  	_ =	shalt  }
0x74: {  	_ =	shalt  }
0x75: {  	_ =	shalt  }
0x76: {  	_ =	shalt  }
0x77: {  	_ =	shalt  }
0x78: {  	_ =	shalt  }
0x79: {  	_ =	shalt  }
0x7a: {  	_ =	shalt  }
0x7b: {  	_ =	shalt  }
0x7c: {  	_ =	shalt  }
0x7d: {  	_ =	shalt  }
0x7e: {  	_ =	shalt  }
0x7f: {  	_ =	shalt  }
0x80: {  	_ =	shalt  }
0x81: {  	_ =	shalt  }
0x82: {  	_ =	shalt  }
0x83: {  	_ =	shalt  }
0x84: {  	_ =	shalt  }
0x85: {  	_ =	shalt  }
0x86: {  	_ =	shalt  }
0x87: {  	_ =	shalt  }
.Lfunc_end0:
.L_simem_size_0:
called_computation_lowered:
.L_overlay_start_0:
0x88: {  	s2 =	sld [smem:$0x3FD9]  }
0x89: {  	s3 =	sld [smem:$0x3FFE];
	_ =	sdelay $0x1  }
0x8a: {  	s1 =	srdreg.scid  }
0x8b: {  	s0 =	sand.u32 $0x1, s1  }
0x8c: {  	s17 =	sshll.u32 s0, $0xA;
	s2 =	sadd.s32 s3, s2  }
0x8d: {  	s2 =	sadd.s32 s2, s17  }
0x8e: {  	[smem:$0x3FC4] =	sst s2  }
0x8f: {  	_ = 	snop  }
0x90: {  	s2 =	sld [smem:$0x3FC9]  }
0x91: {  	s18 =	sld [smem:$0x3FD0];
	(tm) =	ssettm $0x1  }
0x92: {  	s4 =	sld [smem:$0x3FFB];
	_ =	sdelay $0x3  }
0x93: {  	_ =	strace s4  }
0x94: {  	s4 =	sld [smem:$0x3FFC];
	_ =	sdelay $0x3  }
0x95: {  	_ =	strace s4  }
0x96: {  	s4 =	sld [smem:$0x3FFD];
	_ =	sdelay $0x3  }
0x97: {  	_ =	strace s4  }
0x98: {  	_ =	strace $0x8FFFFFFF  }
0x99: {  	s19 =	sld [smem:$0x3FDB];
	_ =	sdelay $0x1  }
0x9a: {  	s5 =	simm.s32 $_scs_section_size  }
0x9b: {  	s6 =	simm.s32 $_size__tile_overlayer_lowered;
	s7 =	simm.s32 $_tile_overlayer_lowered  }
0x9c: {  	s22 =	simm.s32 $0x1BFF;
	s21 =	sshll.u32 s7, $0x1;
	s4 =	sadd.s32 s5, s19  }
0x9d: {  	s8 =	simm.s32 $0x0;
	s20 =	sshll.u32 s6, $0x1;
	s6 =	sadd.s32 s21, s4  }
0x9e: {  	[timem:s8], [sflag:s22] =	dma.local [hbm:s6], s20  }
0x9f: {  	_ =	swait.ge [sflag:s22], s20  }
0xa0: {  	s5 =	ssub.s32 $0x0, s20;
	[sflag:s22] =	ssyncset.done $0x0  }
0xa1: {  	[sflag:s22] =	ssyncadd.s32 s5;
	_ =	sdelay $0x1  }
0xa2: {  	s23 =	simm.s32 $0x1B8B  }
0xa3: {  	_ =	swait.ge [sflag:s23], $0x1  }
0xa4: {  	[sflag:s23] =	ssyncset.done $0x0  }
0xa5: {  	s25 =	simm.s32 $0x1B8E;
	s24 =	sld [smem:$0x3FFE];
	[sflag:s23] =	ssyncadd.s32 $0xFFFFFFFF  }
0xa6: {  	s26 =	simm.s32 $execute0_lowered;
	[smem:$0x3FD2] =	sst s25  }
0xa7: {  	s6 =	sshll.u32 s26, $0x1;
	_ =	strace $0x80000046;
	[dreg:$0x1] =	wrdreg $0xFFFFFFFF  }
0xa8: {  	s28 =	simm.s32 $_size_execute0_lowered;
	s4 =	sadd.s32 s4, s6;
	[dreg:$0x0] =	wrdreg $0x0  }
0xa9: {  	s6 =	sshll.u32 s28, $0x1;
	[dreg:$0x2] =	wrdreg s4  }
0xaa: {  	[dreg:$0x3] =	wrdreg s6  }
0xab: {  	[dreg:$0x4] =	wrdreg $0xC0  }
0xac: {  	_ =	task [dreg:s8], $0x5FFFF  }
0xad: {  	[dreg:$0x1] =	wrdreg $0xFFFFFFFF  }
0xae: {  	[dreg:$0x0] =	wrdreg $0x60  }
0xaf: {  	[dreg:$0x2] =	wrdreg s2  }
0xb0: {  	[dreg:$0x3] =	wrdreg s18  }
0xb1: {  	[dreg:$0x4] =	wrdreg s24  }
0xb2: {  	[dreg:$0x5] =	wrdreg $0x9  }
0xb3: {  	_ =	task.clear_ibuf [dreg:s8], $0x6FFFF;
	_ =	strace $0x90000046  }
0xb4: {  	s29 =	simm.s32 $0x9;
	_ =	strace $0x80000048  }
0xb5: {  	_ =	swait.ge [sflag:s29], $0x1  }
0xb6: {  	[sflag:s29] =	ssyncadd.s32 $0xFFFFFFFF  }
0xb7: {  	_ =	strace $0x90000048  }
0xb8: {  	_ =	sfence  }
0xb9: {  	s30 =	sld [smem:$0x0];
	_ =	sdelay $0x2  }
0xba: {  	s31 =	sshll.u32 s1, $0xD;
	s1 =	sshrl.u32 s1, $0x2  }
0xbb: {  	s3 =	sand.u32 $0x4000, s31;
	s1 =	sadd.s32 s1, s30  }
0xbc: {  	s0 =	sor.u32 s3, s0;
	s1 =	sshll.u32 s1, $0x11  }
0xbd: {  	s0 =	sor.u32 s1, s0  }
0xbe: {  	s0 =	sadd.s32 $0x8F2B, s0  }
0xbf: {  	[sflag:s0] =	ssyncadd.remote.s32 $0x1  }
0xc0: {  	_ =	sfence.sel $0xFFFF  }
0xc1: {  	[dreg:$0x0] =	wrdreg $0xFFFFFFFF;
	(pc) =	sbr.abs _section_cstart, $3  }
0xc2: {  	[dreg:$0x1] =	wrdreg $0xFFFFFFFF  }
0xc3: {  	_ =	task.clear_ibuf [dreg:s8], $0x2FFFF;
	_ =	strace $0x9FFFFFFF  }
0xc4: {  	(tm) =	ssettm $0x7FFFFFFF  }
0xc5: {  	_ =	shalt  }
tec
execute0_lowered:
.L_overlay_start_1:
0x0: {  	(tag) =	ssettag $0x1  }
0x1: {  	s3 =	rddreg [dreg:$0x0]  }
0x2: {  	s4 =	rddreg [dreg:$0x1]  }
0x3: {  	s5 =	rddreg [dreg:$0x2]  }
0x4: {  	s0 =	rddreg [dreg:$0x3];
	s6 =	srdreg.scid;
	s2 =	simm.s32 $0x0  }
0x5: {  	s1 =	stileid.u32;
	s10 =	simm.s32 $0x400;
	s11 =	simm.s32 $0x8000  }
0x6: {  	s12 =	simm.s32 $0x100000;
	s13 =	simm.s32 $0x10100;
	s14 =	simm.s32 $0x0  }
0x7: {  	s6 =	sand.u32 $0x1, s6;
	[smem:$0x7FF] =	sst s2;
	s7 =	sshll.u32 s1, $0x5  }
0x8: {  	s31 =	sshll.u32 s1, $0xF;
	s8 =	sshll.u32 s6, $0x4;
	_ =	strace $0x80000047  }
.Ltmp0:
0x9: {  	s30 =	ssub.s32 $0x2, s6;
	s6 =	sshll.u32 s6, $0x6;
	(pc) =	sbr.rel .LBB2_1-.Ltmp0, $4  }
0xa: {  	s7 =	sor.u32 s8, s7;
	s9 =	sshrl.u32 s30, $0x1;
	s6 =	sadd.s32 s3, s6  }
0xb: {  	s5 =	sadd.s32 s7, s5;
	s8 =	ssub.s32 s30, s9;
	s3 =	sadd.s32 s4, s7  }
0xc: {  	v0 =	vimm.s32 $0x0;
	s4 =	sadd.s32 s31, s6;
	s7 =	simm.s32 $0x10080;
	s9 =	simm.s32 $0x80  }
0xd: {  	v1 =	vlaneseq.u32;
	v2 =	vimm.s32 $0x1;
	v3 =	vimm.f32 $0.0e+00;
	s5 =	sadd.s32 $0x1600, s5;
	s6 =	smax.u32 s8, $0x1;
	s8 =	simm.s32 $0x1  }
.LBB2_25:
0xe: {  	s14 =	sadd.s32 $0x1, s14  }
0xf: {  	p0 =	sne.s32 s14, s6  }
.Ltmp1:
0x10: {  	_ = 	snop;
	(pc) =	sbr.rel @!p0 .LBB2_26-.Ltmp1, $4  }
0x11: {  	[hbm4b:s5+s2] =	stream.linear.scatter [tilespmem:s13], [sflag:$0x1], $0x80, $0x38;
	[tilespmem:$0x10180] =	vst v63  }
0x12: {  	_ =	swait.ge [sflag:s8], $0x80  }
0x13: {  	[sflag:s8] =	ssyncset.done $0x0  }
0x14: {  	[sflag:s8] =	ssyncadd.s32 $0xFFFFFF80  }
.LBB2_1:
0x15: {  	[tilespmem:s7], [sflag:$0x1] =	stream.linear.gather [hbm4b:s3+s2], $0x80, $0x38;
	[tilespmem:$0x10180] =	vst v63  }
0x16: {  	_ =	swait.ge [sflag:s8], $0x80  }
0x17: {  	[sflag:s8] =	ssyncset.done $0x0  }
0x18: {  	s15 =	simm.s32 $0x8040;
	[sflag:s8] =	ssyncadd.s32 $0xFFFFFF80  }
0x19: {  	v4 =	vld [tilespmem:$0x10080];
	[tilespmem:s15+$0xFFFFFFC0] =	vst v0  }
0x1a: {  	[tilespmem:s15+$0x30] =	vst v0  }
0x1b: {  	[tilespmem:s15+$0x20] =	vst v0  }
0x1c: {  	[tilespmem:s15+$0x10] =	vst v0  }
0x1d: {  	[tilespmem:s15+$0x0] =	vst v0  }
0x1e: {  	[tilespmem:s15+$0xFFFFFFF0] =	vst v0  }
0x1f: {  	s16 =	simm.s32 $0x0;
	[tilespmem:s15+$0xFFFFFFE0] =	vst v0  }
.LBB2_2:
0x20: {  	s16 =	sadd.s32 $0x8, s16;
	[tilespmem:s15+$0xFFFFFFD0] =	vst v0;
	s15 =	sadd.s32 $0x80, s15  }
0x21: {  	[tilespmem:s15+$0xFFFFFFC0] =	vst v0;
	p0 =	slt.u32 s16, $0x3F8  }
0x22: {  	[tilespmem:s15+$0x30] =	vst v0  }
.Ltmp2:
0x23: {  	[tilespmem:s15+$0x20] =	vst v0;
	(pc) =	sbr.rel @p0 .LBB2_2-.Ltmp2, $4  }
0x24: {  	[tilespmem:s15+$0x10] =	vst v0  }
0x25: {  	[tilespmem:s15+$0x0] =	vst v0  }
0x26: {  	[tilespmem:s15+$0xFFFFFFF0] =	vst v0  }
0x27: {  	[tilespmem:s15+$0xFFFFFFE0] =	vst v0  }
.Ltmp3:
0x28: {  	(pc) =	sbr.rel .LBB2_4-.Ltmp3, $2  }
0x29: {  	_ =	sdelay $0x2  }
0x2a: {  	[tilespmem:s15+$0xFFFFFFD0] =	vst v0;
	s15 =	simm.s32 $0x0  }
.LBB2_24:
0x2b: {  	(xrf0) =	vadd.scan.msk.s32 $0xffff, v8  }
0x2c: {  	(xrf2) =	vadd.scan.msk.f32 $0xffff, v9;
	_ =	sdelay $0x5  }
0x2d: {  	v8, _, _ =	vpop (xrf0)  }
0x2e: {  	(v2sf) =	vpush v8, $0xF;
	_ =	sdelay $0x2  }
0x2f: {  	v63, _, _ =	vpop (xrf2)  }
0x30: {  	(v2sf) =	vpush v63, $0xF;
	_ =	sdelay $0xa  }
0x31: {  	s18 =	spop (v2sf)  }
0x32: {  	s17 =	sadd.s32 s18, s17  }
0x33: {  	s16 =	ssub.s32 s16, s17  }
0x34: {  	s16 =	scvt.s32.f32 s16  }
0x35: {  	s31 =	spop (v2sf)  }
0x36: {  	s17 =	sadd.f32 s31, s21;
	v7 =	vmul.f32 s16, v7;
	_ =	sdelay $0x1  }
0x37: {  	v7 =	vadd.f32 s17, v7;
	_ =	sdelay $0x1  }
0x38: {  	v7 =	vbroadcast v7, $0x0;
	_ =	sdelay $0x1  }
0x39: {  	(erf) = vrcp.f32 v7;
	_ =	sdelay $0x5  }
0x3a: {  	s15 =	sadd.s32 $0x1, s15  }
0x3b: {  	p0 =	sne.s32 s15, $0x4  }
.Ltmp4:
0x3c: {  	v6 =	vbroadcast v6, $0xF;
	(pc) =	sbr.rel @!p0 .LBB2_25-.Ltmp4, $3  }
0x3d: {  	v7 =	vpop (erf)  }
0x3e: {  	v6 =	vmul.f32 v7, v6;
	_ =	sdelay $0x1  }
0x3f: {  	[tilespmem:v5+s13+$0x0] =	vst.idx.msk $0x1, v6  }
.LBB2_4:
0x40: {  	s16 =	sshll.u32 s15, $0x4  }
0x41: {  	s16 =	sadd.s32 s16, s4  }
0x42: {  	[tilespmem:s2], [sflag:$0x1] =	stream.strided.gather [hbm4b:s16+s9], $0x8000, s10, s9, $0x38;
	[tilespmem:$0x10180] =	vst v63  }
0x43: {  	_ =	swait.ge [sflag:s8], $0x8000  }
0x44: {  	[sflag:s8] =	ssyncset.done $0x0  }
0x45: {  	s31 =	simm.s32 $0x40;
	[sflag:s8] =	ssyncadd.s32 $0xFFFF8000  }
0x46: {  	v5 =	vld [tilespmem:s31+$0xFFFFFFC0];
	_ =	sdelay $0x1  }
0x47: {  	v6 =	vld [tilespmem:s31+$0xFFFFFFD0];
	_ =	sdelay $0x1  }
0x48: {  	v7 =	vld [tilespmem:s31+$0xFFFFFFE0]  }
0x49: {  	v8 =	vimm.f32 $0.0e+00;
	v5 =	vmax.f32 v5, $0.0e+00  }
0x4a: {  	v9 =	vshrl.u32 v5, $0x11;
	v5 =	vadd.f32 v5, v8;
	v8 =	vld [tilespmem:s31+$0xFFFFFFF0]  }
0x4b: {  	v6 =	vmax.f32 v6, $0.0e+00;
	v9 =	vand.u32 $0x7FF0, v9  }
0x4c: {  	v11 =	vld [tilespmem:s31+$0x0];
	v10 =	vor.u32 v1, v9;
	v9 =	vshrl.u32 v6, $0x11;
	v5 =	vadd.f32 v6, v5  }
0x4d: {  	v7 =	vmax.f32 v7, $0.0e+00;
	v6 =	vand.u32 $0x7FF0, v9  }
0x4e: {  	v13 =	vld [tilespmem:s31+$0x10];
	v12 =	vor.u32 v1, v6;
	v5 =	vadd.f32 v7, v5;
	v6 =	vshrl.u32 v7, $0x11  }
0x4f: {  	v7 =	vmax.f32 v8, $0.0e+00;
	v6 =	vand.u32 $0x7FF0, v6  }
0x50: {  	v9 =	vld [tilespmem:s31+$0x20];
	v5 =	vadd.f32 v7, v5;
	v6 =	vor.u32 v1, v6;
	v7 =	vshrl.u32 v7, $0x11  }
0x51: {  	v8 =	vmax.f32 v11, $0.0e+00;
	[tilespmem:v10+s11+$0x0] =	vst.idx.add.s32.msk $0xffff, v2;
	v7 =	vand.u32 $0x7FF0, v7  }
0x52: {  	v11 =	vshrl.u32 v8, $0x11;
	v10 =	vld [tilespmem:s31+$0x30];
	v5 =	vadd.f32 v8, v5;
	v7 =	vor.u32 v1, v7  }
0x53: {  	s17 =	simm.s32 $0xC0;
	s16 =	simm.s32 $0x0;
	v11 =	vand.u32 $0x7FF0, v11;
	v8 =	vmax.f32 v13, $0.0e+00;
	[tilespmem:v12+s11+$0x0] =	vst.idx.add.s32.msk $0xffff, v2  }
.LBB2_5:
0x54: {  	v12 =	vld [tilespmem:s17+$0xFFFFFFC0];
	s16 =	sadd.s32 $0x8, s16;
	v11 =	vor.u32 v1, v11;
	v13 =	vshrl.u32 v8, $0x11;
	v5 =	vadd.f32 v8, v5  }
0x55: {  	p0 =	slt.u32 s16, $0x7F8;
	[tilespmem:v6+s11+$0x0] =	vst.idx.add.s32.msk $0xffff, v2;
	v6 =	vand.u32 $0x7FF0, v13;
	v8 =	vmax.f32 v9, $0.0e+00  }
0x56: {  	v9 =	vld [tilespmem:s17+$0xFFFFFFD0];
	v6 =	vor.u32 v1, v6;
	v13 =	vshrl.u32 v8, $0x11;
	v5 =	vadd.f32 v8, v5  }
0x57: {  	[tilespmem:v7+s11+$0x0] =	vst.idx.add.s32.msk $0xffff, v2;
	v7 =	vand.u32 $0x7FF0, v13;
	v8 =	vmax.f32 v10, $0.0e+00  }
0x58: {  	v10 =	vld [tilespmem:s17+$0xFFFFFFE0];
	v7 =	vor.u32 v1, v7;
	v13 =	vshrl.u32 v8, $0x11;
	v5 =	vadd.f32 v8, v5  }
0x59: {  	v8 =	vmax.f32 v12, $0.0e+00;
	[tilespmem:v11+s11+$0x0] =	vst.idx.add.s32.msk $0xffff, v2;
	v11 =	vand.u32 $0x7FF0, v13  }
0x5a: {  	v12 =	vshrl.u32 v8, $0x11;
	v5 =	vadd.f32 v8, v5;
	v8 =	vld [tilespmem:s17+$0xFFFFFFF0];
	v11 =	vor.u32 v1, v11  }
0x5b: {  	v12 =	vand.u32 $0x7FF0, v12;
	v9 =	vmax.f32 v9, $0.0e+00;
	[tilespmem:v6+s11+$0x0] =	vst.idx.add.s32.msk $0xffff, v2  }
0x5c: {  	v12 =	vor.u32 v1, v12;
	v6 =	vshrl.u32 v9, $0x11;
	v5 =	vadd.f32 v9, v5;
	v13 =	vld [tilespmem:s17+$0x0]  }
0x5d: {  	v6 =	vand.u32 $0x7FF0, v6;
	v9 =	vmax.f32 v10, $0.0e+00;
	[tilespmem:v7+s11+$0x0] =	vst.idx.add.s32.msk $0xffff, v2  }
0x5e: {  	v14 =	vor.u32 v1, v6;
	v6 =	vshrl.u32 v9, $0x11;
	v5 =	vadd.f32 v9, v5;
	v15 =	vld [tilespmem:s17+$0x10]  }
.Ltmp5:
0x5f: {  	v6 =	vand.u32 $0x7FF0, v6;
	v7 =	vmax.f32 v8, $0.0e+00;
	[tilespmem:v11+s11+$0x0] =	vst.idx.add.s32.msk $0xffff, v2;
	(pc) =	sbr.rel @p0 .LBB2_5-.Ltmp5, $4  }
0x60: {  	v6 =	vor.u32 v1, v6;
	v8 =	vshrl.u32 v7, $0x11;
	v5 =	vadd.f32 v7, v5;
	v9 =	vld [tilespmem:s17+$0x20]  }
0x61: {  	[tilespmem:v12+s11+$0x0] =	vst.idx.add.s32.msk $0xffff, v2;
	v7 =	vand.u32 $0x7FF0, v8;
	v8 =	vmax.f32 v13, $0.0e+00  }
0x62: {  	v7 =	vor.u32 v1, v7;
	v11 =	vshrl.u32 v8, $0x11;
	v5 =	vadd.f32 v8, v5;
	v10 =	vld [tilespmem:s17+$0x30]  }
0x63: {  	s17 =	sadd.s32 $0x80, s17;
	[tilespmem:v14+s11+$0x0] =	vst.idx.add.s32.msk $0xffff, v2;
	v11 =	vand.u32 $0x7FF0, v11;
	v8 =	vmax.f32 v15, $0.0e+00  }
0x64: {  	_ =	sdelay $0x1  }
0x65: {  	v11 =	vor.u32 v1, v11;
	v12 =	vshrl.u32 v8, $0x11;
	v9 =	vmax.f32 v9, $0.0e+00  }
0x66: {  	v12 =	vand.u32 $0x7FF0, v12;
	v13 =	vshrl.u32 v9, $0x11;
	v10 =	vmax.f32 v10, $0.0e+00  }
0x67: {  	v12 =	vor.u32 v1, v12;
	v13 =	vand.u32 $0x7FF0, v13;
	v14 =	vshrl.u32 v10, $0x11  }
0x68: {  	v13 =	vor.u32 v1, v13;
	v14 =	vand.u32 $0x7FF0, v14  }
0x69: {  	[tilespmem:v6+s11+$0x0] =	vst.idx.add.s32.msk $0xffff, v2;
	v6 =	vor.u32 v1, v14  }
0x6a: {  	[tilespmem:v7+s11+$0x0] =	vst.idx.add.s32.msk $0xffff, v2  }
0x6b: {  	[tilespmem:v11+s11+$0x0] =	vst.idx.add.s32.msk $0xffff, v2  }
0x6c: {  	[tilespmem:v12+s11+$0x0] =	vst.idx.add.s32.msk $0xffff, v2  }
0x6d: {  	[tilespmem:v13+s11+$0x0] =	vst.idx.add.s32.msk $0xffff, v2  }
0x6e: {  	[tilespmem:v6+s11+$0x0] =	vst.idx.add.s32.msk $0xffff, v2;
	v6 =	vimm.s32 $0x0  }
0x6f: {  	s16 =	simm.s32 $0xBFF0;
	[tilespmem:$0x10000] =	vst v6  }
0x70: {  	v11 =	vld [tilespmem:s16+$0x0]  }
0x71: {  	[tilespmem:s16+$0x0] =	vst v0;
	v12 =	vld [tilespmem:s16+$0xFFFFFFC0]  }
0x72: {  	[tilespmem:s16+$0xFFFFFFF0] =	vst v0;
	v13 =	vld [tilespmem:s16+$0xFFFFFFD0]  }
0x73: {  	[tilespmem:s16+$0xFFFFFFD0] =	vst v0;
	v63 =	vld [tilespmem:s16+$0xFFFFFFF0]  }
0x74: {  	v7 =	vld [tilespmem:s16+$0xFFFFFF90];
	[tilespmem:s16+$0xFFFFFFC0] =	vst v0  }
0x75: {  	v15 =	vld [tilespmem:s16+$0xFFFFFFE0];
	[tilespmem:s16+$0xFFFFFF90] =	vst v0  }
0x76: {  	[tilespmem:s16+$0xFFFFFFE0] =	vst v0  }
0x77: {  	v16 =	vld [tilespmem:s16+$0xFFFFFFB0];
	[tilespmem:s16+$0xFFFFFFB0] =	vst v0  }
0x78: {  	s17 =	simm.s32 $0xFFF0;
	v6 =	vadd.s32 v6, v11;
	v11 =	vld [tilespmem:s16+$0xFFFFFFA0];
	[tilespmem:s16+$0xFFFFFFA0] =	vst v0  }
0x79: {  	[tilespmem:s17+$0x0] =	vst v6;
	v6 =	vadd.s32 v6, v63  }
0x7a: {  	v5 =	vadd.f32 v8, v5;
	[tilespmem:s17+$0xFFFFFFF0] =	vst v6;
	v6 =	vadd.s32 v6, v15  }
0x7b: {  	[tilespmem:s17+$0xFFFFFFE0] =	vst v6;
	v6 =	vadd.s32 v6, v13  }
0x7c: {  	v5 =	vadd.f32 v9, v5;
	[tilespmem:s17+$0xFFFFFFD0] =	vst v6;
	v6 =	vadd.s32 v6, v12  }
0x7d: {  	[tilespmem:s17+$0xFFFFFFC0] =	vst v6;
	v8 =	vadd.s32 v6, v16  }
0x7e: {  	s18 =	simm.s32 $0xBF70;
	s19 =	simm.s32 $0xFFF0;
	s16 =	simm.s32 $0x0;
	v6 =	vadd.f32 v10, v5;
	[tilespmem:s17+$0xFFFFFFB0] =	vst v8;
	v8 =	vadd.s32 v8, v11  }
.LBB2_7:
0x7f: {  	v5 =	vld [tilespmem:s18+$0x0];
	s16 =	sadd.s32 $0x8, s16;
	[tilespmem:s17+$0xFFFFFFA0] =	vst v8;
	v8 =	vadd.s32 v8, v7;
	s19 =	sadd.s32 $0xFFFFFF80, s19  }
0x80: {  	v7 =	vld [tilespmem:s18+$0xFFFFFF90];
	p0 =	slt.u32 s16, $0x3F8;
	[tilespmem:s17+$0xFFFFFF90] =	vst v8;
	s17 =	smov.u32 s19  }
0x81: {  	[tilespmem:s18+$0x0] =	vst v0;
	v9 =	vld [tilespmem:s18+$0xFFFFFFC0]  }
0x82: {  	[tilespmem:s18+$0xFFFFFFF0] =	vst v0;
	v10 =	vld [tilespmem:s18+$0xFFFFFFD0]  }
0x83: {  	v11 =	vld [tilespmem:s18+$0xFFFFFFE0];
	[tilespmem:s18+$0xFFFFFFD0] =	vst v0  }
0x84: {  	v5 =	vadd.s32 v8, v5;
	v8 =	vld [tilespmem:s18+$0xFFFFFFF0];
	[tilespmem:s18+$0xFFFFFFC0] =	vst v0  }
0x85: {  	v12 =	vld [tilespmem:s18+$0xFFFFFFA0];
	[tilespmem:s18+$0xFFFFFF90] =	vst v0  }
0x86: {  	[tilespmem:s18+$0xFFFFFFE0] =	vst v0;
	v13 =	vld [tilespmem:s18+$0xFFFFFFB0]  }
0x87: {  	[tilespmem:s18+$0xFFFFFFB0] =	vst v0  }
0x88: {  	[tilespmem:s19+$0x0] =	vst v5  }
0x89: {  	v5 =	vadd.s32 v5, v8;
	[tilespmem:s18+$0xFFFFFFA0] =	vst v0  }
.Ltmp6:
0x8a: {  	[tilespmem:s19+$0xFFFFFFF0] =	vst v5;
	v5 =	vadd.s32 v5, v11;
	(pc) =	sbr.rel @p0 .LBB2_7-.Ltmp6, $4  }
0x8b: {  	[tilespmem:s19+$0xFFFFFFE0] =	vst v5;
	v5 =	vadd.s32 v5, v10  }
0x8c: {  	[tilespmem:s19+$0xFFFFFFD0] =	vst v5;
	v5 =	vadd.s32 v5, v9  }
0x8d: {  	[tilespmem:s19+$0xFFFFFFC0] =	vst v5;
	v5 =	vadd.s32 v5, v13  }
0x8e: {  	s18 =	sadd.s32 $0xFFFFFF80, s18;
	[tilespmem:s19+$0xFFFFFFB0] =	vst v5;
	v8 =	vadd.s32 v5, v12  }
0x8f: {  	v5 =	vmov s15  }
0x90: {  	vm0 =	veq.s32 v5, v1  }
0x91: {  	v9 =	vnsel vm0, $0x0, v4  }
0x92: {  	(xrf0) =	vadd.scan.msk.s32 $0xffff, v9;
	_ =	sdelay $0x5  }
0x93: {  	v9, _, _ =	vpop (xrf0)  }
0x94: {  	(v2sf) =	vpush v9, $0xF;
	_ =	sdelay $0xd  }
0x95: {  	[tilespmem:s17+$0xFFFFFFA0] =	vst v8;
	v7 =	vadd.s32 v8, v7;
	s20 =	simm.s32 $0x0;
	s19 =	simm.s32 $0x400  }
0x96: {  	s18 =	simm.s32 $0x9;
	[tilespmem:s17+$0xFFFFFF90] =	vst v7;
	s17 =	simm.s32 $0x400;
	s16 =	spop (v2sf)  }
.LBB2_9:
0x97: {  	s21 =	smov.u32 s20  }
0x98: {  	p0 =	sne.s32 s18, $0x1;
	s20 =	sshrl.u32 s19, $0x1F  }
0x99: {  	s19 =	sadd.s32 s20, s19  }
0x9a: {  	s19 =	sshra.s32 s19, $0x1  }
0x9b: {  	s20 =	sshll.u32 s19, $0x6  }
0x9c: {  	s20 =	sshra.s32 s20, $0x2  }
0x9d: {  	v7 =	vld [tilespmem:s20+$0xC000];
	_ =	sdelay $0x4  }
0x9e: {  	(xrf0) =	vadd.scan.msk.s32 $0xffff, v7;
	_ =	sdelay $0x5  }
0x9f: {  	v7, _, _ =	vpop (xrf0)  }
0xa0: {  	(v2sf) =	vpush v7, $0xF;
	_ =	sdelay $0xd  }
.Ltmp7:
0xa1: {  	(pc) =	sbr.rel @p0 .LBB2_9-.Ltmp7, $4  }
0xa2: {  	s20 =	spop (v2sf)  }
0xa3: {  	p1 =	slt.s32 s20, s16;
	s20 =	smov.u32 s19  }
0xa4: {  	s20 =	smov.u32 @p1 s21;
	s17 =	smov.u32 @p1 s19  }
0xa5: {  	s18 =	sadd.s32 $0xFFFFFFFF, s18;
	s19 =	sadd.s32 s20, s17  }
0xa6: {  	s17 =	sshrl.u32 s19, $0x1F  }
0xa7: {  	s17 =	sadd.s32 s17, s19  }
0xa8: {  	s19 =	sshra.s32 s17, $0x1  }
0xa9: {  	s17 =	sshll.u32 s19, $0x6  }
0xaa: {  	s17 =	sshra.s32 s17, $0x2  }
0xab: {  	v7 =	vld [tilespmem:s17+$0xC000];
	_ =	sdelay $0x4  }
0xac: {  	(xrf0) =	vadd.scan.msk.s32 $0xffff, v7;
	_ =	sdelay $0x5  }
0xad: {  	v7, _, _ =	vpop (xrf0)  }
0xae: {  	(v2sf) =	vpush v7, $0xF;
	_ =	sdelay $0x8  }
0xaf: {  	s18 =	simm.s32 $0x40  }
0xb0: {  	v8 =	vld [tilespmem:s18+$0x30]  }
0xb1: {  	v9 =	vld [tilespmem:s18+$0x10]  }
0xb2: {  	v7 =	vld [tilespmem:s18+$0xFFFFFFD0]  }
0xb3: {  	v10 =	vld [tilespmem:s18+$0xFFFFFFF0]  }
0xb4: {  	v14 =	vld [tilespmem:s18+$0x20]  }
0xb5: {  	v15 =	vld [tilespmem:s18+$0x0];
	s29 =	spop (v2sf)  }
0xb6: {  	p0 =	slt.s32 s29, s16  }
0xb7: {  	v13 =	vimm.s32 $0x0;
	v17 =	vimm.f32 $0.0e+00;
	v23 =	vmax.f32 v7, $0.0e+00;
	s19 =	smov.u32 @p0 s20  }
0xb8: {  	v18 =	vld [tilespmem:s18+$0xFFFFFFE0];
	v9 =	vmax.f32 v9, $0.0e+00;
	v7 =	vshrl.u32 v23, $0x15;
	v12 =	vmov s19  }
0xb9: {  	v14 =	vmax.f32 v14, $0.0e+00;
	v25 =	vshrl.u32 v9, $0x15;
	s30 =	sadd.s32 $0x1, s19;
	vm9 =	veq.s32 v7, v12  }
0xba: {  	s31 =	sshll.u32 s30, $0x15;
	v7 =	vmax.f32 v8, $0.0e+00;
	v8 =	vmax.f32 v10, $0.0e+00;
	v10 =	vmax.f32 v15, $0.0e+00  }
0xbb: {  	v15 =	vshrl.u32 v14, $0x15;
	vm4 =	veq.s32 v25, v12;
	v11 =	vmov s31  }
0xbc: {  	v22 =	vld [tilespmem:s18+$0xFFFFFFC0];
	v16 =	vsel vm9, $0x1, v0;
	v19 =	vmpcnt.ones.xlane vm9;
	v21 =	vshrl.u32 v7, $0x15  }
0xbd: {  	v24 =	vshrl.u32 v8, $0x15;
	vm6 =	veq.s32 v15, v12;
	v15 =	vmax.f32 v18, $0.0e+00  }
0xbe: {  	v25 =	vsel vm4, $0x1, v0;
	v30 =	vmpcnt.ones.xlane vm4;
	vm0 =	vgt.s32 v11, v23  }
0xbf: {  	vm2 =	vgt.s32 v11, v7;
	vm10 =	vgt.s32 v11, v8;
	vm1 =	veq.s32 v24, v12  }
0xc0: {  	v24 =	vshrl.u32 v10, $0x15;
	vm5 =	vgt.s32 v11, v14;
	v27 =	vmpcnt.ones.xlane vm6  }
0xc1: {  	(xrf0) =	vadd.scan.msk.s32 $0xffff, v16;
	v16 =	vmax.f32 v22, $0.0e+00;
	vm11 =	vgt.s32 v11, v15;
	v29 =	vshrl.u32 v15, $0x15  }
0xc2: {  	vm12 =	vgt.s32 v11, v10;
	v20 =	vsel vm0, $0x0, v23;
	vm0 =	veq.s32 v21, v12  }
0xc3: {  	v21 =	vsel vm6, $0x1, v0;
	v22 =	vmpcnt.ones.xlane vm1;
	v28 =	vshrl.u32 v16, $0x15  }
0xc4: {  	vm7 =	vgt.s32 v11, v16;
	vm3 =	veq.s32 v24, v12;
	vm8 =	veq.s32 v28, v12  }
0xc5: {  	v33 =	vsel vm12, $0x0, v10;
	v26 =	vsel vm0, $0x1, v0;
	(xrf0) =	vadd.scan.msk.s32 $0xffff, v21;
	v21 =	vmpcnt.ones.xlane vm8  }
0xc6: {  	v24 =	vsel vm7, $0x0, v16;
	vm7 =	veq.s32 v29, v12;
	v28 =	vmpcnt.ones.xlane vm3;
	(xrf0) =	vadd.scan.msk.s32 $0xffff, v25  }
0xc7: {  	v25 =	vsel vm8, $0x1, v0;
	v17 =	vadd.f32 v24, v17;
	(xrf0) =	vadd.scan.msk.s32 $0xffff, v26;
	v21 =	vadd.s32 v13, v21;
	v29, _, _ =	vpop (xrf0)  }
0xc8: {  	v24 =	vsel vm1, $0x1, v0;
	(xrf0) =	vadd.scan.msk.s32 $0xffff, v25;
	v26 =	vadd.s32 v29, v21;
	v29 =	vmpcnt.ones.xlane vm7  }
0xc9: {  	v17 =	vadd.f32 v20, v17;
	v19 =	vadd.s32 v21, v19;
	(xrf0) =	vadd.scan.msk.s32 $0xffff, v24;
	v25 =	vadd.s32 $0xFFFFFFFF, v26  }
0xca: {  	v32 =	vsel vm7, $0x1, v0;
	v20 =	vsel vm11, $0x0, v15;
	v21 =	vadd.s32 v19, v29  }
0xcb: {  	v31 =	vadd.f32 v20, v17;
	v24, _, _ =	vpop (xrf0);
	v29 =	vsel vm10, $0x0, v8;
	v20 =	vadd.s32 v21, v22  }
0xcc: {  	s17 =	sshll.u32 s30, $0x6;
	v18 =	vmpcnt.ones.xlane vm0;
	v63 =	vsel vm3, $0x1, v0;
	(xrf0) =	vadd.scan.msk.s32 $0xffff, v32;
	v22, _, _ =	vpop (xrf0);
	v26 =	vadd.s32 v20, v28  }
0xcd: {  	s17 =	sshra.s32 s17, $0x2;
	vm10 =	vgt.s32 v11, v9;
	v31 =	vadd.f32 v29, v31;
	v28 =	vadd.s32 v26, v30;
	v30, _, _ =	vpop (xrf0)  }
0xce: {  	v17 =	vld [tilespmem:s17+$0xC000];
	(xrf0) =	vadd.scan.msk.s32 $0xffff, v63;
	[tilespmem:v25+s2+$0x0] =	vst.idx.msk vm9, v23;
	v23 =	vadd.s32 v24, v28;
	v28 =	vadd.s32 v28, v27;
	v29, _, _ =	vpop (xrf0)  }
0xcf: {  	s18 =	simm.s32 $0xC0;
	s17 =	simm.s32 $0x0;
	v24 =	vadd.f32 v33, v31;
	v25 =	vadd.s32 $0xFFFFFFFF, v23;
	v23 =	vadd.s32 v30, v28;
	v27, _, _ =	vpop (xrf0)  }
.LBB2_11:
0xd0: {  	v30 =	vld [tilespmem:s18+$0xFFFFFFD0];
	s17 =	sadd.s32 $0x8, s17;
	v13 =	vadd.s32 v29, v13;
	v22 =	vadd.s32 v22, v26;
	v26 =	vsel vm10, $0x0, v9  }
0xd1: {  	v29 =	vld [tilespmem:s18+$0x20];
	p0 =	slt.u32 s17, $0x7F8;
	v31 =	vadd.s32 $0xFFFFFFFF, v13;
	v22 =	vadd.s32 $0xFFFFFFFF, v22;
	v24 =	vadd.f32 v26, v24  }
0xd2: {  	v32 =	vsel vm5, $0x0, v14;
	v13 =	vadd.s32 v28, v18;
	v18 =	vsel vm2, $0x0, v7;
	v26 =	vld [tilespmem:s18+$0x30];
	v28, _, _ =	vpop (xrf0)  }
0xd3: {  	v21 =	vadd.s32 v27, v21;
	v33 =	vld [tilespmem:s18+$0x10];
	v19 =	vadd.s32 v28, v19;
	v24 =	vadd.f32 v32, v24  }
0xd4: {  	v23 =	vadd.s32 $0xFFFFFFFF, v23;
	v21 =	vadd.s32 $0xFFFFFFFF, v21;
	v27 =	vld [tilespmem:s18+$0xFFFFFFF0];
	v19 =	vadd.s32 $0xFFFFFFFF, v19;
	[tilespmem:v25+s2+$0x0] =	vst.idx.msk vm6, v14;
	v14, _, _ =	vpop (xrf0)  }
0xd5: {  	v25 =	vmax.f32 v30, $0.0e+00;
	v28 =	vld [tilespmem:s18+$0xFFFFFFE0];
	v14 =	vadd.s32 v14, v20;
	v20 =	vadd.f32 v18, v24  }
0xd6: {  	v18 =	vshrl.u32 v25, $0x15;
	vm2 =	vgt.s32 v11, v25;
	v24 =	vld [tilespmem:s18+$0x0];
	[tilespmem:v31+s2+$0x0] =	vst.idx.msk vm8, v16;
	v16 =	vadd.s32 $0xFFFFFFFF, v14  }
0xd7: {  	vm9 =	veq.s32 v18, v12;
	v30 =	vsel vm2, $0x0, v25;
	v18 =	vmax.f32 v26, $0.0e+00;
	[tilespmem:v22+s2+$0x0] =	vst.idx.msk vm4, v9  }
0xd8: {  	v22 =	vsel vm9, $0x1, v0;
	v9 =	vmax.f32 v33, $0.0e+00;
	vm2 =	vgt.s32 v11, v18  }
0xd9: {  	v26 =	vmpcnt.ones.xlane vm9;
	v14 =	vmax.f32 v27, $0.0e+00;
	v27 =	vshrl.u32 v18, $0x15;
	[tilespmem:v19+s2+$0x0] =	vst.idx.msk vm7, v15  }
0xda: {  	v31 =	vshrl.u32 v9, $0x15;
	v19 =	vld [tilespmem:s18+$0xFFFFFFC0];
	v15 =	vshrl.u32 v14, $0x15;
	vm10 =	vgt.s32 v11, v14;
	[tilespmem:v21+s2+$0x0] =	vst.idx.msk vm1, v8;
	v8 =	vmovc v14  }
0xdb: {  	v14 =	vmax.f32 v29, $0.0e+00;
	(xrf0) =	vadd.scan.msk.s32 $0xffff, v22;
	[tilespmem:v16+s2+$0x0] =	vst.idx.msk vm3, v10;
	v10 =	vmax.f32 v24, $0.0e+00  }
0xdc: {  	vm1 =	veq.s32 v15, v12;
	v15 =	vshrl.u32 v14, $0x15;
	v21 =	vshrl.u32 v10, $0x15;
	[tilespmem:v23+s2+$0x0] =	vst.idx.msk vm0, v7;
	v7 =	vmovc v18  }
0xdd: {  	vm5 =	vgt.s32 v11, v14;
	vm6 =	veq.s32 v15, v12;
	vm0 =	veq.s32 v27, v12  }
0xde: {  	v15 =	vmax.f32 v28, $0.0e+00;
	v18 =	vsel vm6, $0x1, v0;
	v23 =	vmpcnt.ones.xlane vm6  }
0xdf: {  	vm4 =	veq.s32 v31, v12;
	v24 =	vmpcnt.ones.xlane vm1;
	v16 =	vmax.f32 v19, $0.0e+00;
	(xrf0) =	vadd.scan.msk.s32 $0xffff, v18  }
0xe0: {  	vm11 =	vgt.s32 v11, v15;
	v22 =	vsel vm0, $0x1, v0;
	v19 =	vsel vm4, $0x1, v0  }
0xe1: {  	v28 =	vshrl.u32 v15, $0x15;
	v18 =	vmpcnt.ones.xlane vm0;
	v27 =	vshrl.u32 v16, $0x15;
	v29, _, _ =	vpop (xrf0);
	(xrf0) =	vadd.scan.msk.s32 $0xffff, v19  }
0xe2: {  	vm3 =	veq.s32 v21, v12;
	vm7 =	vgt.s32 v11, v16;
	vm8 =	veq.s32 v27, v12  }
0xe3: {  	v21 =	vsel vm7, $0x0, v16;
	vm7 =	veq.s32 v28, v12;
	v19 =	vmpcnt.ones.xlane vm8  }
0xe4: {  	v31 =	vmpcnt.ones.xlane vm4;
	v28 =	vmpcnt.ones.xlane vm3;
	v27 =	vsel vm8, $0x1, v0  }
0xe5: {  	v20 =	vadd.f32 v21, v20;
	v21 =	vsel vm1, $0x1, v0;
	v19 =	vadd.s32 v13, v19;
	v32, _, _ =	vpop (xrf0);
	(xrf0) =	vadd.scan.msk.s32 $0xffff, v22  }
0xe6: {  	v29 =	vadd.s32 v29, v19;
	v19 =	vadd.s32 v19, v26;
	v26 =	vmpcnt.ones.xlane vm7;
	(xrf0) =	vadd.scan.msk.s32 $0xffff, v27  }
0xe7: {  	vm12 =	vgt.s32 v11, v10;
	v20 =	vadd.f32 v30, v20;
	v27 =	vadd.s32 $0xFFFFFFFF, v29;
	(xrf0) =	vadd.scan.msk.s32 $0xffff, v21;
	v22, _, _ =	vpop (xrf0)  }
0xe8: {  	v29 =	vsel vm10, $0x0, v8;
	v21 =	vadd.s32 v19, v26;
	v26 =	vsel vm11, $0x0, v15  }
.Ltmp8:
0xe9: {  	v30 =	vsel vm7, $0x1, v0;
	v33 =	vadd.f32 v26, v20;
	v20 =	vadd.s32 v21, v24;
	(pc) =	sbr.rel @p0 .LBB2_11-.Ltmp8, $4  }
0xea: {  	vm10 =	vgt.s32 v11, v9;
	v24 =	vsel vm12, $0x0, v10;
	v26 =	vadd.s32 v20, v28;
	(xrf0) =	vadd.scan.msk.s32 $0xffff, v30  }
0xeb: {  	v30 =	vadd.f32 v29, v33;
	v33 =	vsel vm3, $0x1, v0;
	v28 =	vadd.s32 v26, v31;
	v31, _, _ =	vpop (xrf0)  }
0xec: {  	[tilespmem:v27+s2+$0x0] =	vst.idx.msk vm9, v25;
	v25 =	vadd.s32 v32, v28;
	v28 =	vadd.s32 v28, v23;
	v29, _, _ =	vpop (xrf0);
	(xrf0) =	vadd.scan.msk.s32 $0xffff, v33  }
0xed: {  	s18 =	sadd.s32 $0x80, s18;
	v24 =	vadd.f32 v24, v30;
	v25 =	vadd.s32 $0xFFFFFFFF, v25;
	v23 =	vadd.s32 v31, v28;
	v27, _, _ =	vpop (xrf0)  }
0xee: {  	v11 =	vadd.s32 v28, v18  }
0xef: {  	(xrf0) =	vadd.scan.msk.s32 $0xffff, v17;
	v11 =	vxor.u32 $0x80000000, v11  }
0xf0: {  	(xrf0) =	vmax.scan.msk.u32 $0xffff, v11;
	_ =	sdelay $0x2  }
0xf1: {  	v56, _, _ =	vpop (xrf0)  }
0xf2: {  	v12, _, _ =	vpop (xrf0)  }
0xf3: {  	v17, _, _ =	vpop (xrf0)  }
0xf4: {  	(v2sf) =	vpush v17, $0xF;
	v57, _, _ =	vpop (xrf0)  }
0xf5: {  	(v2sf) =	vpush v57, $0xF;
	_ =	sdelay $0xd  }
0xf6: {  	s17 =	spop (v2sf)  }
0xf7: {  	s20 =	spop (v2sf)  }
0xf8: {  	v13 =	vadd.s32 v29, v13;
	v61 =	vadd.s32 $0xFFFFFFFF, v23;
	s18 =	sadd.s32 $0x8000001F, s20  }
0xf9: {  	v59 =	vadd.s32 v27, v21;
	v13 =	vadd.s32 $0xFFFFFFFF, v13;
	s21 =	sshra.s32 s18, $0x1F  }
0xfa: {  	v58 =	vadd.s32 v22, v26;
	v18 =	vadd.s32 $0xFFFFFFFF, v59;
	s21 =	sshrl.u32 s21, $0x1B  }
0xfb: {  	v11 =	vadd.s32 v56, v19;
	v17 =	vadd.s32 $0xFFFFFFFF, v58;
	s22 =	sxor.u32 $0x80000000, s20;
	s21 =	sadd.s32 s21, s18  }
0xfc: {  	[tilespmem:v25+s2+$0x0] =	vst.idx.msk vm6, v14;
	v11 =	vadd.s32 $0xFFFFFFFF, v11;
	v12 =	vadd.s32 v12, v20;
	s20 =	sadd.s32 $0x80000010, s20;
	v60 =	vadd.s32 s22, v1;
	s18 =	sshra.s32 s21, $0x5;
	s21 =	sand.u32 $0xFFFFFFE0, s21  }
0xfd: {  	[tilespmem:v61+s2+$0x0] =	vst.idx.msk vm0, v7;
	v12 =	vadd.s32 $0xFFFFFFFF, v12;
	v62 =	vadd.s32 s20, v1;
	vm14 =	vlt.s32 v60, s21;
	s29 =	sshrl.u32 s18, $0x1E  }
0xfe: {  	[tilespmem:v13+s2+$0x0] =	vst.idx.msk vm8, v16;
	vm15 =	vlt.s32 v62, s21;
	s20 =	sadd.s32 s29, s18  }
0xff: {  	v63 =	vsel vm10, $0x0, v9;
	[tilespmem:v18+s2+$0x0] =	vst.idx.msk vm1, v8;
	s20 =	sand.u32 $0xFFFFFFFC, s20  }
.Ltmp9:
0x100: {  	[tilespmem:v17+s2+$0x0] =	vst.idx.msk vm4, v9;
	v9 =	vadd.f32 v63, v24;
	s23 =	ssub.s32 s18, s20;
	(pc) =	sbr.rel .LBB2_13-.Ltmp9, $4  }
0x101: {  	v8 =	vsel vm5, $0x0, v14;
	[tilespmem:v11+s2+$0x0] =	vst.idx.msk vm7, v15;
	s30 =	sshll.u32 s18, $0x7;
	s24 =	sshll.u32 s23, $0x7  }
0x102: {  	[tilespmem:v12+s2+$0x0] =	vst.idx.msk vm3, v10;
	v8 =	vadd.f32 v8, v9;
	s21 =	simm.s32 $0x0;
	s25 =	ssub.s32 s30, s24  }
0x103: {  	v7 =	vsel vm2, $0x0, v7;
	s22 =	ssub.s32 s16, s17;
	p1 =	slt.s32 s20, $0x1;
	[tilespmem:v60+s21+$0x0] =	vst.idx.msk vm14, v3;
	s31 =	sshra.s32 s25, $0x2  }
0x104: {  	v7 =	vadd.f32 v7, v8;
	p0 =	slt.s32 s23, $0x1;
	s24 =	sshll.u32 s19, $0x15;
	[tilespmem:v62+s21+$0x0] =	vst.idx.msk vm15, v3;
	s19 =	sor.u32 $0x10, s31  }
.LBB2_18:
0x105: {  	(xrf0) =	vadd.scan.msk.s32 $0xffff, v9;
	_ =	sdelay $0x5  }
0x106: {  	v8, _, _ =	vpop (xrf0)  }
0x107: {  	(v2sf) =	vpush v8, $0xF;
	_ =	sdelay $0xe  }
0x108: {  	s25 =	spop (v2sf)  }
0x109: {  	s21 =	sadd.s32 $0x1, s21;
	p2 =	slt.s32 s25, s22  }
0x10a: {  	s23 =	smov.u32 @p2 s24;
	p2 =	sne.s32 s21, $0x15  }
.Ltmp10:
0x10b: {  	_ = 	snop;
	(pc) =	sbr.rel @!p2 .LBB2_19-.Ltmp10, $2  }
0x10c: {  	_ =	sdelay $0x2  }
0x10d: {  	s24 =	smov.u32 s23  }
.LBB2_13:
.Ltmp11:
0x10e: {  	(pc) =	sbr.rel @p1 .LBB2_14-.Ltmp11, $4  }
0x10f: {  	_ = 	snop  }
0x110: {  	s23 =	sshrl.u32 s12, s21  }
0x111: {  	s23 =	sor.u32 s23, s24  }
0x112: {  	v8 =	vmov s23  }
0x113: {  	s26 =	simm.s32 $0x40  }
0x114: {  	v10 =	vld [tilespmem:s26+$0xFFFFFFC0]  }
0x115: {  	v11 =	vld [tilespmem:s26+$0xFFFFFFD0]  }
0x116: {  	p2 =	sgt.s32 s20, $0x4;
	v16 =	vld [tilespmem:s26+$0xFFFFFFE0]  }
.Ltmp12:
0x117: {  	v12 =	vld [tilespmem:s26+$0xFFFFFFF0];
	(pc) =	sbr.rel @!p2 .LBB2_29-.Ltmp12, $4  }
0x118: {  	v9 =	vld [tilespmem:s26+$0x0]  }
0x119: {  	vm0 =	vge.s32 v10, v8;
	v10 =	vld [tilespmem:s26+$0x10]  }
0x11a: {  	v13 =	vimm.s32 $0x0;
	v14 =	vsel vm0, $0x1, v0;
	vm0 =	vge.s32 v11, v8;
	v11 =	vld [tilespmem:s26+$0x20]  }
0x11b: {  	s25 =	simm.s32 $0x4;
	v14 =	vadd.s32 v14, v13;
	v15 =	vsel vm0, $0x1, v0;
	vm0 =	vge.s32 v16, v8;
	v13 =	vld [tilespmem:s26+$0x30];
	s26 =	simm.s32 $0xC0  }
.LBB2_28:
0x11c: {  	v16 =	vld [tilespmem:s26+$0xFFFFFFC0];
	s25 =	sadd.s32 $0x4, s25;
	v14 =	vadd.s32 v15, v14;
	v15 =	vsel vm0, $0x1, v0;
	vm0 =	vge.s32 v12, v8  }
0x11d: {  	v17 =	vld [tilespmem:s26+$0xFFFFFFD0];
	p2 =	slt.s32 s25, s20;
	v12 =	vadd.s32 v15, v14;
	v14 =	vsel vm0, $0x1, v0;
	vm0 =	vge.s32 v9, v8  }
0x11e: {  	v18 =	vld [tilespmem:s26+$0xFFFFFFE0];
	v9 =	vadd.s32 v14, v12;
	v14 =	vsel vm0, $0x1, v0;
	vm0 =	vge.s32 v10, v8  }
.Ltmp13:
0x11f: {  	v12 =	vld [tilespmem:s26+$0xFFFFFFF0];
	v10 =	vadd.s32 v14, v9;
	v14 =	vsel vm0, $0x1, v0;
	vm0 =	vge.s32 v11, v8;
	(pc) =	sbr.rel @p2 .LBB2_28-.Ltmp13, $4  }
0x120: {  	v9 =	vld [tilespmem:s26+$0x0];
	v11 =	vadd.s32 v14, v10;
	v14 =	vsel vm0, $0x1, v0;
	vm0 =	vge.s32 v13, v8  }
0x121: {  	vm1 =	vge.s32 v16, v8;
	v10 =	vld [tilespmem:s26+$0x10];
	v13 =	vadd.s32 v14, v11;
	v14 =	vsel vm0, $0x1, v0  }
0x122: {  	v15 =	vsel vm1, $0x1, v0;
	vm0 =	vge.s32 v17, v8;
	v11 =	vld [tilespmem:s26+$0x20];
	v13 =	vadd.s32 v14, v13  }
0x123: {  	v14 =	vadd.s32 v15, v13;
	v15 =	vsel vm0, $0x1, v0;
	vm0 =	vge.s32 v18, v8;
	v13 =	vld [tilespmem:s26+$0x30];
	s26 =	sadd.s32 $0x80, s26  }
.LBB2_29:
0x124: {  	v14 =	vadd.s32 v15, v14;
	v60 =	vsel vm0, $0x1, v0;
	vm11 =	vge.s32 v12, v8  }
0x125: {  	v61 =	vadd.s32 v60, v14;
	v62 =	vsel vm11, $0x1, v0;
	vm12 =	vge.s32 v9, v8  }
.Ltmp14:
0x126: {  	v9 =	vadd.s32 v62, v61;
	v63 =	vsel vm12, $0x1, v0;
	vm13 =	vge.s32 v10, v8;
	(pc) =	sbr.rel .LBB2_15-.Ltmp14, $4  }
0x127: {  	v9 =	vadd.s32 v63, v9;
	v10 =	vsel vm13, $0x1, v0;
	vm14 =	vge.s32 v11, v8  }
0x128: {  	v9 =	vadd.s32 v10, v9;
	v10 =	vsel vm14, $0x1, v0;
	vm15 =	vge.s32 v13, v8  }
0x129: {  	v9 =	vadd.s32 v10, v9;
	v10 =	vsel vm15, $0x1, v0  }
0x12a: {  	v9 =	vadd.s32 v10, v9  }
.LBB2_14:
0x12b: {  	v9 =	vimm.s32 $0x0  }
.LBB2_15:
.Ltmp15:
0x12c: {  	(pc) =	sbr.rel @p0 .LBB2_18-.Ltmp15, $1  }
0x12d: {  	_ =	sdelay $0x3  }
0x12e: {  	s25 =	smov.u32 s19;
	s26 =	smov.u32 s20  }
.LBB2_17:
0x12f: {  	v10 =	vld [tilespmem:s25+$0xFFFFFFF0]  }
0x130: {  	v11 =	vld [tilespmem:s25+$0x0]  }
0x131: {  	s26 =	sadd.s32 $0x1, s26  }
0x132: {  	p2 =	slt.s32 s26, s18  }
.Ltmp16:
0x133: {  	_ = 	snop;
	(pc) =	sbr.rel @p2 .LBB2_17-.Ltmp16, $4  }
0x134: {  	vm0 =	vge.s32 v10, v8  }
0x135: {  	vm15 =	vge.s32 v11, v8;
	v10 =	vsel vm0, $0x1, v0  }
0x136: {  	v9 =	vadd.s32 v10, v9;
	v10 =	vsel vm15, $0x1, v0  }
0x137: {  	s25 =	sadd.s32 $0x20, s25;
	v9 =	vadd.s32 v10, v9  }
.Ltmp17:
0x138: {  	_ = 	snop;
	(pc) =	sbr.rel .LBB2_18-.Ltmp17, $1  }
0x139: {  	_ =	sdelay $0x3  }
.LBB2_19:
0x13a: {  	(xrf2) =	vadd.scan.msk.f32 $0xffff, v6  }
0x13b: {  	(xrf2) =	vadd.scan.msk.f32 $0xffff, v7;
	_ =	sdelay $0x8  }
0x13c: {  	v6, _, _ =	vpop (xrf2)  }
0x13d: {  	v7, _, _ =	vpop (xrf2)  }
0x13e: {  	(v2sf) =	vpush v7, $0xF;
	_ =	sdelay $0xa  }
.Ltmp18:
0x13f: {  	_ = 	snop;
	(pc) =	sbr.rel @p1 .LBB2_20-.Ltmp18, $2  }
0x140: {  	_ =	sdelay $0x2  }
0x141: {  	v7 =	vmov s23;
	s21 =	spop (v2sf)  }
0x142: {  	s22 =	simm.s32 $0x40  }
0x143: {  	v12 =	vld [tilespmem:s22+$0xFFFFFFC0];
	_ =	sdelay $0x1  }
0x144: {  	v13 =	vld [tilespmem:s22+$0xFFFFFFD0];
	_ =	sdelay $0x1  }
0x145: {  	v14 =	vld [tilespmem:s22+$0xFFFFFFE0]  }
0x146: {  	v8 =	vld [tilespmem:s22+$0x30];
	vm4 =	vlt.s32 v7, v12  }
0x147: {  	v10 =	vimm.f32 $0.0e+00;
	v15 =	vld [tilespmem:s22+$0xFFFFFFF0];
	v12 =	vnsel vm4, $0x0, v12  }
0x148: {  	v9 =	vld [tilespmem:s22+$0x20];
	vm5 =	vlt.s32 v7, v13;
	v12 =	vadd.f32 v12, v10  }
0x149: {  	v16 =	vld [tilespmem:s22+$0x0];
	v13 =	vnsel vm5, $0x0, v13  }
0x14a: {  	vm6 =	vlt.s32 v7, v14;
	v10 =	vld [tilespmem:s22+$0x10];
	v12 =	vadd.f32 v13, v12  }
0x14b: {  	v11 =	vimm.s32 $0x0;
	p1 =	sgt.s32 s20, $0x4;
	v13 =	vnsel vm6, $0x0, v14  }
.Ltmp19:
0x14c: {  	vm3 =	vlt.s32 v7, v15;
	vm0 =	vlt.s32 v7, v8;
	v12 =	vadd.f32 v13, v12;
	(pc) =	sbr.rel @!p1 .LBB2_32-.Ltmp19, $4  }
0x14d: {  	vm1 =	vlt.s32 v7, v9;
	v14 =	vsel vm4, $0x1, v0;
	v13 =	vnsel vm3, $0x0, v15  }
0x14e: {  	vm4 =	vlt.s32 v7, v16;
	v11 =	vadd.s32 v14, v11;
	v15 =	vadd.f32 v13, v12  }
0x14f: {  	v14 =	vnsel vm4, $0x0, v16;
	vm2 =	vlt.s32 v7, v10;
	v12 =	vsel vm5, $0x1, v0  }
0x150: {  	s23 =	simm.s32 $0xC0;
	s22 =	simm.s32 $0x4;
	v13 =	vsel vm6, $0x1, v0;
	v12 =	vadd.s32 v12, v11;
	v11 =	vadd.f32 v14, v15  }
.LBB2_31:
0x151: {  	v14 =	vld [tilespmem:s23+$0xFFFFFFC0];
	s22 =	sadd.s32 $0x4, s22;
	v12 =	vadd.s32 v13, v12;
	v13 =	vsel vm3, $0x1, v0;
	v10 =	vnsel vm2, $0x0, v10  }
0x152: {  	p1 =	slt.s32 s22, s20;
	v12 =	vadd.s32 v13, v12;
	v13 =	vsel vm4, $0x1, v0;
	v10 =	vadd.f32 v10, v11  }
0x153: {  	v9 =	vnsel vm1, $0x0, v9;
	v11 =	vld [tilespmem:s23+$0xFFFFFFD0];
	v12 =	vadd.s32 v13, v12;
	v13 =	vsel vm2, $0x1, v0  }
0x154: {  	v15 =	vld [tilespmem:s23+$0x30];
	v12 =	vadd.s32 v13, v12;
	v13 =	vsel vm1, $0x1, v0;
	v10 =	vadd.f32 v9, v10  }
0x155: {  	v8 =	vnsel vm0, $0x0, v8;
	v16 =	vld [tilespmem:s23+$0xFFFFFFE0];
	v12 =	vadd.s32 v13, v12;
	v13 =	vsel vm0, $0x1, v0  }
0x156: {  	vm4 =	vlt.s32 v7, v14;
	v9 =	vld [tilespmem:s23+$0x20];
	v12 =	vadd.s32 v13, v12;
	v18 =	vadd.f32 v8, v10  }
0x157: {  	v10 =	vnsel vm4, $0x0, v14;
	v13 =	vld [tilespmem:s23+$0xFFFFFFF0]  }
0x158: {  	vm5 =	vlt.s32 v7, v11;
	v14 =	vadd.f32 v10, v18;
	v10 =	vld [tilespmem:s23+$0x10]  }
0x159: {  	v11 =	vnsel vm5, $0x0, v11;
	v17 =	vld [tilespmem:s23+$0x0];
	v8 =	vmov v15  }
0x15a: {  	v11 =	vadd.f32 v11, v14;
	vm6 =	vlt.s32 v7, v16  }
0x15b: {  	v14 =	vnsel vm6, $0x0, v16  }
.Ltmp20:
0x15c: {  	vm0 =	vlt.s32 v7, v8;
	vm3 =	vlt.s32 v7, v13;
	v11 =	vadd.f32 v14, v11;
	(pc) =	sbr.rel @p1 .LBB2_31-.Ltmp20, $4  }
0x15d: {  	vm1 =	vlt.s32 v7, v9;
	v13 =	vnsel vm3, $0x0, v13;
	vm2 =	vlt.s32 v7, v10  }
0x15e: {  	v14 =	vsel vm4, $0x1, v0;
	v11 =	vadd.f32 v13, v11;
	vm4 =	vlt.s32 v7, v17  }
0x15f: {  	v12 =	vadd.s32 v14, v12;
	v13 =	vsel vm5, $0x1, v0;
	v14 =	vnsel vm4, $0x0, v17  }
0x160: {  	s23 =	sadd.s32 $0x80, s23;
	v12 =	vadd.s32 v13, v12;
	v13 =	vsel vm6, $0x1, v0;
	v11 =	vadd.f32 v14, v11  }
.LBB2_32:
0x161: {  	v12 =	vadd.s32 v13, v12;
	v59 =	vsel vm3, $0x1, v0;
	v10 =	vnsel vm2, $0x0, v10  }
.Ltmp21:
0x162: {  	v60 =	vsel vm4, $0x1, v0;
	v12 =	vadd.s32 v59, v12;
	v10 =	vadd.f32 v10, v11;
	(pc) =	sbr.rel .LBB2_21-.Ltmp21, $4  }
0x163: {  	v61 =	vsel vm2, $0x1, v0;
	v9 =	vnsel vm1, $0x0, v9;
	v11 =	vadd.s32 v60, v12  }
0x164: {  	v62 =	vsel vm1, $0x1, v0;
	v11 =	vadd.s32 v61, v11;
	v9 =	vadd.f32 v9, v10  }
0x165: {  	v63 =	vnsel vm0, $0x0, v8;
	v10 =	vadd.s32 v62, v11;
	v11 =	vsel vm0, $0x1, v0  }
0x166: {  	v8 =	vadd.s32 v11, v10;
	v9 =	vadd.f32 v63, v9  }
.LBB2_20:
0x167: {  	v9 =	vimm.f32 $0.0e+00;
	v8 =	vimm.s32 $0x0  }
.LBB2_21:
.Ltmp22:
0x168: {  	(pc) =	sbr.rel @p0 .LBB2_24-.Ltmp22, $1  }
0x169: {  	_ =	sdelay $0x3  }
0x16a: {  	v10 =	vbroadcast v7, $0x0  }
.LBB2_23:
0x16b: {  	v11 =	vld [tilespmem:s19+$0xFFFFFFF0];
	_ =	sdelay $0x1  }
0x16c: {  	v12 =	vld [tilespmem:s19+$0x0]  }
0x16d: {  	s20 =	sadd.s32 $0x1, s20  }
0x16e: {  	p0 =	slt.s32 s20, s18  }
.Ltmp23:
0x16f: {  	vm0 =	vlt.s32 v10, v11;
	(pc) =	sbr.rel @p0 .LBB2_23-.Ltmp23, $4  }
0x170: {  	v11 =	vnsel vm0, $0x0, v11  }
0x171: {  	vm1 =	vlt.s32 v10, v12;
	v13 =	vsel vm0, $0x1, v0;
	v9 =	vadd.f32 v11, v9  }
0x172: {  	v12 =	vnsel vm1, $0x0, v12;
	v8 =	vadd.s32 v13, v8;
	v11 =	vsel vm1, $0x1, v0  }
0x173: {  	s19 =	sadd.s32 $0x20, s19;
	v8 =	vadd.s32 v11, v8;
	v9 =	vadd.f32 v12, v9  }
.Ltmp24:
0x174: {  	_ = 	snop;
	(pc) =	sbr.rel .LBB2_24-.Ltmp24, $1  }
0x175: {  	_ =	sdelay $0x3  }
.LBB2_26:
0x176: {  	_ =	sfence.sel $0x180000  }
0x177: {  	[bflag:$0x0] =	sbarrier.arrive $0xFFFF  }
0x178: {  	p0 =	sne.s32 s1, $0x0;
	_ =	strace $0x90000047  }
0x179: {  	s0 =	sadd.s32 @!p0 $0x100000, s0;
	[bflag:$0x2] =	sbarrier.arrive $0xFFFF  }
0x17a: {  	[sflag:s0] =	ssyncadd.tile.s32 @!p0 $0x1;
	_ =	shalt  }
.Lfunc_end2:
_tile_overlayer_lowered:
.L_overlay_start_2:
0x17b: {  	(tag) =	ssettag $0x2  }
0x17c: {  	s0 =	rddreg [dreg:$0x0];
	s2 =	stileid.u32  }
0x17d: {  	s1 =	rddreg [dreg:$0x1];
	p0 =	sne.s32 s2, $0x0  }
0x17e: {  	s3 =	rddreg [dreg:$0x2];
	[bflag:$0x3] =	sbarrier.arrive $0xFFFF;
	s2 =	simm.s32 @!p0 $0x1C01  }
0x17f: {  	[timem:s3], [sflag:s2] =	dma.local @!p0 [hbm:s0], s1  }
0x180: {  	s0 =	simm.s32 @!p0 $0x1  }
0x181: {  	_ =	swait.ge @!p0 [sflag:s0], s1  }
0x182: {  	s1 =	ssub.s32 @!p0 $0x0, s1;
	[sflag:s0] =	ssyncset.done @!p0 $0x0  }
0x183: {  	[sflag:s0] =	ssyncadd.s32 @!p0 s1  }
0x184: {  	[bflag:$0x3] =	sbarrier.arrive $0xFFFF  }
0x185: {  	_ =	shalt  }

</sc_bundles>
